<compile_context>
chip_gen: v7x
topology: tpu7x:2x2x1
jax: 0.10.2.dev20260603
libtpu: 0.0.44.dev20260713+nightly
codegen_flags: <defaults>
</compile_context>

<pallas_src>
import functools

import jax
import jax.numpy as jnp
from jax import lax
from jax.experimental import pallas as pl
from jax.experimental.pallas import tpu as pltpu
from jax.experimental.pallas import tpu_sc as plsc

N_NODES = 10000
N_EDGES = 320000
NC = 2
NS = 16
NW = NC * NS
CHUNK = 80
EPW_RAW = N_EDGES // NW
EPW = 10000
PAD = EPW - EPW_RAW
NCHUNKS = EPW // CHUNK
NRB = 3
PAD_ROWS = 0


STRIPE = 624


def _segment_sum_sc(x, edge_flat):
    n, d = x.shape
    n_acc = n + PAD_ROWS
    mesh = plsc.VectorSubcoreMesh(core_axis_name="c", subcore_axis_name="s")
    zeros = jnp.zeros((n_acc, d), jnp.float32)

    @functools.partial(
        pl.kernel,
        out_type=jax.ShapeDtypeStruct((NC, n, d), jnp.float32),
        mesh=mesh,
        scratch_types=(
            [pltpu.VMEM((EPW,), jnp.int32)]
            + [pltpu.VMEM((CHUNK,), jnp.int32) for _ in range(NRB)]
            + [pltpu.VMEM((CHUNK, d), jnp.float32) for _ in range(NRB)]
            + [pltpu.VMEM_SHARED((n_acc, d), jnp.float32)]
            + [pltpu.SemaphoreType.DMA for _ in range(2 * NRB)]
        ),
    )
    def seg_sum(x_hbm, ei_hbm, zeros_hbm, out_hbm, *refs):
        sidx_all = refs[0]
        didx = refs[1:1 + NRB]
        rows = refs[1 + NRB:1 + 2 * NRB]
        acc = refs[1 + 2 * NRB]
        sems = refs[2 + 2 * NRB:]
        dsem = sems[0:NRB]
        gsem = sems[NRB:2 * NRB]

        cid = lax.axis_index("c")
        sid = lax.axis_index("s")
        wid = sid * NC + cid
        base = wid * EPW

        def start_chunk(g, b):
            pltpu.make_async_copy(
                ei_hbm.at[pl.ds(NW * EPW + base + g * CHUNK, CHUNK)], didx[b], dsem[b]
            ).start()
            pltpu.make_async_copy(
                x_hbm.at[sidx_all.at[pl.ds(g * CHUNK, CHUNK)]], rows[b], gsem[b]
            ).start()

        @pl.when(sid < NS - 1)
        def _():
            pltpu.sync_copy(zeros_hbm.at[pl.ds(sid * STRIPE, STRIPE)],
                            acc.at[pl.ds(sid * STRIPE, STRIPE)])

        @pl.when(sid == NS - 1)
        def _():
            pltpu.sync_copy(zeros_hbm.at[pl.ds((NS - 1) * STRIPE,
                                               n_acc - (NS - 1) * STRIPE)],
                            acc.at[pl.ds((NS - 1) * STRIPE,
                                         n_acc - (NS - 1) * STRIPE)])

        pltpu.sync_copy(ei_hbm.at[pl.ds(base, EPW)], sidx_all)
        plsc.subcore_barrier()

        start_chunk(0, 0)
        start_chunk(1, 1)

        nslots = NRB * ((NCHUNKS + NRB - 1) // NRB)

        @pl.loop(0, nslots, step=NRB)
        def _(i):
            for u in range(NRB):
                c = i + u

                @pl.when(c < NCHUNKS)
                def _():
                    pltpu.make_async_copy(
                        ei_hbm.at[pl.ds(base, CHUNK)], didx[u], dsem[u]
                    ).wait()
                    pltpu.make_async_copy(
                        x_hbm.at[pl.ds(0, CHUNK)], rows[u], gsem[u]
                    ).wait()

                    @pl.when(c + 2 < NCHUNKS)
                    def _():
                        start_chunk(c + 2, (u + 2) % NRB)

                    pltpu.sync_copy(rows[u], acc.at[didx[u]], add=True)

        plsc.subcore_barrier()

        @pl.when(sid < NS - 1)
        def _():
            pltpu.sync_copy(acc.at[pl.ds(sid * STRIPE, STRIPE)],
                            out_hbm.at[cid, pl.ds(sid * STRIPE, STRIPE)])

        @pl.when(sid == NS - 1)
        def _():
            pltpu.sync_copy(acc.at[pl.ds((NS - 1) * STRIPE,
                                         n - (NS - 1) * STRIPE)],
                            out_hbm.at[cid, pl.ds((NS - 1) * STRIPE,
                                                  n - (NS - 1) * STRIPE)])

    return seg_sum(x, edge_flat, zeros)


def _mlp1_tc(x, parts, W1, b1, W2, b2, eps0):
    n, d_in = x.shape
    h_dim = W1.shape[1]
    blk = 2000

    def body(eps_ref, x_ref, p0_ref, p1_ref, w1_ref, b1_ref, w2_ref, b2_ref,
             o_ref):
        t = (1.0 + eps_ref[0]) * x_ref[...] + p0_ref[0] + p1_ref[0]
        h = jnp.dot(t, w1_ref[...], preferred_element_type=jnp.float32,
                    precision=lax.Precision.HIGHEST) + b1_ref[...]
        h = jnp.maximum(h, 0.0)
        h = jnp.dot(h, w2_ref[...], preferred_element_type=jnp.float32,
                    precision=lax.Precision.HIGHEST) + b2_ref[...]
        h = jnp.maximum(h, 0.0)
        o_ref[...] = jnp.concatenate([h, jnp.zeros_like(h)], axis=1)

    grid = (n // blk,)
    row_spec = pl.BlockSpec((blk, d_in), lambda i: (i, 0))
    part0_spec = pl.BlockSpec((1, blk, d_in), lambda i: (0, i, 0))
    part1_spec = pl.BlockSpec((1, blk, d_in), lambda i: (1, i, 0))
    return pl.pallas_call(
        body,
        grid=grid,
        in_specs=[
            pl.BlockSpec(memory_space=pltpu.SMEM),
            row_spec, part0_spec, part1_spec,
            pl.BlockSpec((d_in, h_dim), lambda i: (0, 0)),
            pl.BlockSpec((1, h_dim), lambda i: (0, 0)),
            pl.BlockSpec((h_dim, h_dim), lambda i: (0, 0)),
            pl.BlockSpec((1, h_dim), lambda i: (0, 0)),
        ],
        out_specs=pl.BlockSpec((blk, 2 * h_dim), lambda i: (i, 0)),
        out_shape=jax.ShapeDtypeStruct((n, 2 * h_dim), jnp.float32),
    )(eps0.reshape(1), x, parts, parts, W1, b1.reshape(1, -1), W2,
      b2.reshape(1, -1))


def _mlp2_tc(h, parts, W3, b3, W4, b4, eps1):
    n, pad_dim = h.shape
    h_dim = W3.shape[0]
    d_out = W4.shape[1]
    blk = 2000

    def body(eps_ref, h_ref, p0_ref, p1_ref, w3_ref, b3_ref, w4_ref, b4_ref,
             o_ref):
        t = (1.0 + eps_ref[0]) * h_ref[...] + p0_ref[0] + p1_ref[0]
        t = t[:, :h_dim]
        g = jnp.dot(t, w3_ref[...], preferred_element_type=jnp.float32,
                    precision=lax.Precision.HIGHEST) + b3_ref[...]
        g = jnp.maximum(g, 0.0)
        logits = jnp.dot(g, w4_ref[...], preferred_element_type=jnp.float32,
                         precision=lax.Precision.HIGHEST) + b4_ref[...]
        m = jnp.max(logits, axis=1, keepdims=True)
        z = logits - m
        lse = jnp.log(jnp.sum(jnp.exp(z), axis=1, keepdims=True))
        o_ref[...] = z - lse

    grid = (n // blk,)
    row_spec = pl.BlockSpec((blk, pad_dim), lambda i: (i, 0))
    part0_spec = pl.BlockSpec((1, blk, pad_dim), lambda i: (0, i, 0))
    part1_spec = pl.BlockSpec((1, blk, pad_dim), lambda i: (1, i, 0))
    return pl.pallas_call(
        body,
        grid=grid,
        in_specs=[
            pl.BlockSpec(memory_space=pltpu.SMEM),
            row_spec, part0_spec, part1_spec,
            pl.BlockSpec((h_dim, h_dim), lambda i: (0, 0)),
            pl.BlockSpec((1, h_dim), lambda i: (0, 0)),
            pl.BlockSpec((h_dim, d_out), lambda i: (0, 0)),
            pl.BlockSpec((1, d_out), lambda i: (0, 0)),
        ],
        out_specs=pl.BlockSpec((blk, d_out), lambda i: (i, 0)),
        out_shape=jax.ShapeDtypeStruct((n, d_out), jnp.float32),
    )(eps1.reshape(1), h, parts, parts, W3, b3.reshape(1, -1), W4,
      b4.reshape(1, -1))


def kernel(x, edge_index, W1, b1, W2, b2, eps0, W3, b3, W4, b4, eps1):
    if PAD:
        srcw = edge_index[0].reshape(NW, EPW_RAW)
        dstw = edge_index[1].reshape(NW, EPW_RAW)
        pad_src = jnp.zeros((NW, PAD), jnp.int32)
        pad_dst = jnp.broadcast_to(
            N_NODES + (jnp.arange(PAD, dtype=jnp.int32) % PAD_ROWS), (NW, PAD))
        src = jnp.concatenate([srcw, pad_src], axis=1).reshape(-1)
        dst = jnp.concatenate([dstw, pad_dst], axis=1).reshape(-1)
        ei = jnp.concatenate([src, dst])
    else:
        ei = edge_index.reshape(-1)

    parts = _segment_sum_sc(x, ei)
    h = _mlp1_tc(x, parts, W1, b1, W2, b2, eps0)

    parts2 = _segment_sum_sc(h, ei)
    return _mlp2_tc(h, parts2, W3, b3, W4, b4, eps1)

# --- scband reference (transcript-rebuilt; emitter-appended) ---
"""Pipeline reference for scband-ginmodel-39848706573591 (READ-ONLY COPY).

The authoritative reference and input builder live on the scoring server;
editing this copy changes nothing except your own understanding.
"""

import jax, jax.numpy as jnp
import numpy as np

N = 10000
E = 320000
D_IN = 128
H = 64
D_OUT = 128

def setup_inputs(seed: int = 0):
    key = jax.random.key(seed)
    ks = jax.random.split(key, 8)
    x = jax.random.normal(ks[0], (N, D_IN), dtype=jnp.float32)
    edge_index = jax.random.randint(ks[1], (2, E), 0, N, dtype=jnp.int32)
    s = 0.05
    W1 = jax.random.normal(ks[2], (D_IN, H), dtype=jnp.float32) * s
    b1 = jnp.zeros((H,), dtype=jnp.float32)
    W2 = jax.random.normal(ks[3], (H, H), dtype=jnp.float32) * s
    b2 = jnp.zeros((H,), dtype=jnp.float32)
    eps0 = jnp.zeros((), dtype=jnp.float32)
    W3 = jax.random.normal(ks[4], (H, H), dtype=jnp.float32) * s
    b3 = jnp.zeros((H,), dtype=jnp.float32)
    W4 = jax.random.normal(ks[5], (H, D_OUT), dtype=jnp.float32) * s
    b4 = jnp.zeros((D_OUT,), dtype=jnp.float32)
    eps1 = jnp.zeros((), dtype=jnp.float32)
    return {"x": x, "edge_index": edge_index, "W1": W1, "b1": b1, "W2": W2, "b2": b2, "eps0": eps0, "W3": W3, "b3": b3, "W4": W4, "b4": b4, "eps1": eps1}

def reference(x, edge_index, W1, b1, W2, b2, eps0, W3, b3, W4, b4, eps1):
    src = edge_index[0]
    dst = edge_index[1]
    n = x.shape[0]
    # GIN layer 1: h = MLP1((1+eps0)*x + sum_{j in N(i)} x_j)
    agg = jax.ops.segment_sum(jnp.take(x, src, axis=0), dst, num_segments=n)
    h = (1.0 + eps0) * x + agg
    h = jax.nn.relu(h @ W1 + b1)
    h = jax.nn.relu(h @ W2 + b2)
    # inter-layer ReLU from the model forward (idempotent here)
    h = jax.nn.relu(h)
    # GIN layer 2 (last layer, MLP without final ReLU)
    agg2 = jax.ops.segment_sum(jnp.take(h, src, axis=0), dst, num_segments=n)
    h2 = (1.0 + eps1) * h + agg2
    h2 = jax.nn.relu(h2 @ W3 + b3)
    out = h2 @ W4 + b4
    return jax.nn.log_softmax(out, axis=1)

if __name__ == "__main__":
    import jax
    _d = setup_inputs()
    print(jax.jit(kernel)(*tuple(_d.values())))

</pallas_src>

<mosaic_0001>
#map = affine_map<(d0, d1) -> (0, 0)>
#map1 = affine_map<(d0, d1) -> (0)>
#map2 = affine_map<(d0, d1) -> (0, 0, 0)>
module attributes {stable_mosaic.version = 14 : i64} {
  func.func @seg_sum(%arg0: i32, %arg1: i32, %arg2: memref<10000x128xf32, #tpu.memory_space<hbm>>, %arg3: memref<640000xi32, #tpu.memory_space<hbm>>, %arg4: memref<10000x128xf32, #tpu.memory_space<hbm>>, %arg5: memref<2x10000x128xf32, #tpu.memory_space<hbm>>, %arg6: memref<10000xi32, #tpu.memory_space<vmem>>, %arg7: memref<80xi32, #tpu.memory_space<vmem>>, %arg8: memref<80xi32, #tpu.memory_space<vmem>>, %arg9: memref<80xi32, #tpu.memory_space<vmem>>, %arg10: memref<80x128xf32, #tpu.memory_space<vmem>>, %arg11: memref<80x128xf32, #tpu.memory_space<vmem>>, %arg12: memref<80x128xf32, #tpu.memory_space<vmem>>, %arg13: memref<10000x128xf32, #tpu.memory_space<vmem_shared>>, %arg14: memref<!tpu.dma_semaphore, #tpu.memory_space<semaphore_mem>>, %arg15: memref<!tpu.dma_semaphore, #tpu.memory_space<semaphore_mem>>, %arg16: memref<!tpu.dma_semaphore, #tpu.memory_space<semaphore_mem>>, %arg17: memref<!tpu.dma_semaphore, #tpu.memory_space<semaphore_mem>>, %arg18: memref<!tpu.dma_semaphore, #tpu.memory_space<semaphore_mem>>, %arg19: memref<!tpu.dma_semaphore, #tpu.memory_space<semaphore_mem>>) attributes {dimension_semantics = [#tpu.dimension_semantics<core_parallel>, #tpu.dimension_semantics<subcore_parallel>], iteration_bounds = array<i64: 2, 16>, scalar_prefetch = 0 : i64, scratch_operands = 14 : i64, tpu.core_type = #tpu.core_type<sc_vector_subcore>, window_params = [{transform_indices = #map}, {transform_indices = #map1}, {transform_indices = #map}, {transform_indices = #map2}]} {
    %mul3A = arith.constant 2 : i32
    %mul3A_0 = arith.muli %arg1, %mul3A : i32
    %add3A = arith.addi %mul3A_0, %arg0 : i32
    %mul3A_1 = arith.constant 10000 : i32
    %mul3A_2 = arith.muli %add3A, %mul3A_1 : i32
    %lt3A = arith.constant 15 : i32
    %lt3A_3 = arith.cmpi slt, %arg1, %lt3A : i32
    %convert_element_type3A = arith.extui %lt3A_3 : i1 to i32
    %cond3A = arith.constant 0 : i32
    %cond3A_4 = arith.cmpi ne, %convert_element_type3A, %cond3A : i32
    scf.if %cond3A_4 {
      %mul3A_45 = arith.constant 624 : i32
      %mul3A_46 = arith.muli %arg1, %mul3A_45 : i32
      %mul3A_47 = arith.constant 624 : i32
      %mul3A_48 = arith.muli %arg1, %mul3A_47 : i32
      "tpu.region"() ({
        %run_scoped3A = tpu.sem_alloc : memref<!tpu.dma_semaphore, #tpu.memory_space<semaphore_mem>>
        %dma_start3A_49 = arith.constant 0 : i32
        %dma_start3A_50 = tpu.memref_slice %arg13[%mul3A_48, %dma_start3A_49] : memref<10000x128xf32, #tpu.memory_space<vmem_shared>> -> memref<624x128xf32, #tpu.memory_space<vmem_shared>>
        %dma_start3A_51 = arith.constant 0 : i32
        %dma_start3A_52 = tpu.memref_slice %arg4[%mul3A_46, %dma_start3A_51] : memref<10000x128xf32, #tpu.memory_space<hbm>> -> memref<624x128xf32, #tpu.memory_space<hbm>>
        tpu.enqueue_dma source(%dma_start3A_52 : memref<624x128xf32, #tpu.memory_space<hbm>>) target(%dma_start3A_50 : memref<624x128xf32, #tpu.memory_space<vmem_shared>>) target_semaphore(%run_scoped3A : memref<!tpu.dma_semaphore, #tpu.memory_space<semaphore_mem>>)
        %dma_wait3A = arith.constant 0 : i32
        %dma_wait3A_53 = tpu.memref_slice %arg13[%mul3A_48, %dma_wait3A] : memref<10000x128xf32, #tpu.memory_space<vmem_shared>> -> memref<624x128xf32, #tpu.memory_space<vmem_shared>>
        %dma_wait3A_54 = arith.constant 0 : i32
        %dma_wait3A_55 = tpu.memref_slice %arg4[%mul3A_46, %dma_wait3A_54] : memref<10000x128xf32, #tpu.memory_space<hbm>> -> memref<624x128xf32, #tpu.memory_space<hbm>>
        tpu.wait_dma2 semaphore(%run_scoped3A : memref<!tpu.dma_semaphore, #tpu.memory_space<semaphore_mem>>) src(%dma_wait3A_55 : memref<624x128xf32, #tpu.memory_space<hbm>>) dst(%dma_wait3A_53 : memref<624x128xf32, #tpu.memory_space<vmem_shared>>)
        tpu.yield
      }) : () -> ()
    } else {
    }
    %eq3A = arith.constant 15 : i32
    %eq3A_5 = arith.cmpi eq, %arg1, %eq3A : i32
    %convert_element_type3A_6 = arith.extui %eq3A_5 : i1 to i32
    %cond3A_7 = arith.constant 0 : i32
    %cond3A_8 = arith.cmpi ne, %convert_element_type3A_6, %cond3A_7 : i32
    scf.if %cond3A_8 {
      "tpu.region"() ({
        %run_scoped3A = tpu.sem_alloc : memref<!tpu.dma_semaphore, #tpu.memory_space<semaphore_mem>>
        %dma_start3A_45 = arith.constant 9360 : i32
        %dma_start3A_46 = arith.constant 0 : i32
        %dma_start3A_47 = tpu.memref_slice %arg13[%dma_start3A_45, %dma_start3A_46] : memref<10000x128xf32, #tpu.memory_space<vmem_shared>> -> memref<640x128xf32, #tpu.memory_space<vmem_shared>>
        %dma_start3A_48 = arith.constant 9360 : i32
        %dma_start3A_49 = arith.constant 0 : i32
        %dma_start3A_50 = tpu.memref_slice %arg4[%dma_start3A_48, %dma_start3A_49] : memref<10000x128xf32, #tpu.memory_space<hbm>> -> memref<640x128xf32, #tpu.memory_space<hbm>>
        tpu.enqueue_dma source(%dma_start3A_50 : memref<640x128xf32, #tpu.memory_space<hbm>>) target(%dma_start3A_47 : memref<640x128xf32, #tpu.memory_space<vmem_shared>>) target_semaphore(%run_scoped3A : memref<!tpu.dma_semaphore, #tpu.memory_space<semaphore_mem>>)
        %dma_wait3A = arith.constant 9360 : i32
        %dma_wait3A_51 = arith.constant 0 : i32
        %dma_wait3A_52 = tpu.memref_slice %arg13[%dma_wait3A, %dma_wait3A_51] : memref<10000x128xf32, #tpu.memory_space<vmem_shared>> -> memref<640x128xf32, #tpu.memory_space<vmem_shared>>
        %dma_wait3A_53 = arith.constant 9360 : i32
        %dma_wait3A_54 = arith.constant 0 : i32
        %dma_wait3A_55 = tpu.memref_slice %arg4[%dma_wait3A_53, %dma_wait3A_54] : memref<10000x128xf32, #tpu.memory_space<hbm>> -> memref<640x128xf32, #tpu.memory_space<hbm>>
        tpu.wait_dma2 semaphore(%run_scoped3A : memref<!tpu.dma_semaphore, #tpu.memory_space<semaphore_mem>>) src(%dma_wait3A_55 : memref<640x128xf32, #tpu.memory_space<hbm>>) dst(%dma_wait3A_52 : memref<640x128xf32, #tpu.memory_space<vmem_shared>>)
        tpu.yield
      }) : () -> ()
    } else {
    }
    "tpu.region"() ({
      %run_scoped3A = tpu.sem_alloc : memref<!tpu.dma_semaphore, #tpu.memory_space<semaphore_mem>>
      %dma_start3A_45 = tpu.memref_slice %arg3[%mul3A_2] : memref<640000xi32, #tpu.memory_space<hbm>> -> memref<10000xi32, #tpu.memory_space<hbm>>
      %dma_start3A_46 = tpu.memref_slice %arg3[%mul3A_2] : memref<640000xi32, #tpu.memory_space<hbm>> -> memref<10000xi32, #tpu.memory_space<hbm>>
      tpu.enqueue_dma source(%dma_start3A_46 : memref<10000xi32, #tpu.memory_space<hbm>>) target(%arg6 : memref<10000xi32, #tpu.memory_space<vmem>>) target_semaphore(%run_scoped3A : memref<!tpu.dma_semaphore, #tpu.memory_space<semaphore_mem>>)
      %dma_wait3A = tpu.memref_slice %arg3[%mul3A_2] : memref<640000xi32, #tpu.memory_space<hbm>> -> memref<10000xi32, #tpu.memory_space<hbm>>
      %dma_wait3A_47 = tpu.memref_slice %arg3[%mul3A_2] : memref<640000xi32, #tpu.memory_space<hbm>> -> memref<10000xi32, #tpu.memory_space<hbm>>
      tpu.wait_dma2 semaphore(%run_scoped3A : memref<!tpu.dma_semaphore, #tpu.memory_space<semaphore_mem>>) src(%dma_wait3A_47 : memref<10000xi32, #tpu.memory_space<hbm>>) dst(%arg6 : memref<10000xi32, #tpu.memory_space<vmem>>)
      tpu.yield
    }) : () -> ()
    %barrier3A = arith.constant 0 : index
    tpu.barrier barrier_id(%barrier3A)
    %add3A_9 = arith.constant 320000 : i32
    %add3A_10 = arith.addi %add3A_9, %mul3A_2 : i32
    %add3A_11 = arith.constant 0 : i32
    %add3A_12 = arith.addi %add3A_10, %add3A_11 : i32
    %dma_start3A = tpu.memref_slice %arg3[%add3A_12] : memref<640000xi32, #tpu.memory_space<hbm>> -> memref<80xi32, #tpu.memory_space<hbm>>
    %dma_start3A_13 = tpu.memref_slice %arg3[%add3A_12] : memref<640000xi32, #tpu.memory_space<hbm>> -> memref<80xi32, #tpu.memory_space<hbm>>
    tpu.enqueue_dma source(%dma_start3A_13 : memref<80xi32, #tpu.memory_space<hbm>>) target(%arg7 : memref<80xi32, #tpu.memory_space<vmem>>) target_semaphore(%arg14 : memref<!tpu.dma_semaphore, #tpu.memory_space<semaphore_mem>>)
    %dma_start3A_14 = arith.constant 0 : i32
    %dma_start3A_15 = tpu.memref_slice %arg6[%dma_start3A_14] : memref<10000xi32, #tpu.memory_space<vmem>> -> memref<80xi32, #tpu.memory_space<vmem>>
    %dma_start3A_16 = arith.constant 0 : i32
    %dma_start3A_17 = arith.constant 0 : i32
    %dma_start3A_18 = tpu.memref_slice %arg2[%dma_start3A_16, %dma_start3A_17] : memref<10000x128xf32, #tpu.memory_space<hbm>> -> memref<10000x128xf32, #tpu.memory_space<hbm>>
    tpu.enqueue_indirect_dma source(%dma_start3A_18 : memref<10000x128xf32, #tpu.memory_space<hbm>>) target(%arg10 : memref<80x128xf32, #tpu.memory_space<vmem>>) offsets(%dma_start3A_15 : memref<80xi32, #tpu.memory_space<vmem>>) semaphore(%arg17 : memref<!tpu.dma_semaphore, #tpu.memory_space<semaphore_mem>>)
    %add3A_19 = arith.constant 320000 : i32
    %add3A_20 = arith.addi %add3A_19, %mul3A_2 : i32
    %add3A_21 = arith.constant 80 : i32
    %add3A_22 = arith.addi %add3A_20, %add3A_21 : i32
    %dma_start3A_23 = tpu.memref_slice %arg3[%add3A_22] : memref<640000xi32, #tpu.memory_space<hbm>> -> memref<80xi32, #tpu.memory_space<hbm>>
    %dma_start3A_24 = tpu.memref_slice %arg3[%add3A_22] : memref<640000xi32, #tpu.memory_space<hbm>> -> memref<80xi32, #tpu.memory_space<hbm>>
    tpu.enqueue_dma source(%dma_start3A_24 : memref<80xi32, #tpu.memory_space<hbm>>) target(%arg8 : memref<80xi32, #tpu.memory_space<vmem>>) target_semaphore(%arg15 : memref<!tpu.dma_semaphore, #tpu.memory_space<semaphore_mem>>)
    %dma_start3A_25 = arith.constant 80 : i32
    %dma_start3A_26 = tpu.memref_slice %arg6[%dma_start3A_25] : memref<10000xi32, #tpu.memory_space<vmem>> -> memref<80xi32, #tpu.memory_space<vmem>>
    %dma_start3A_27 = arith.constant 0 : i32
    %dma_start3A_28 = arith.constant 0 : i32
    %dma_start3A_29 = tpu.memref_slice %arg2[%dma_start3A_27, %dma_start3A_28] : memref<10000x128xf32, #tpu.memory_space<hbm>> -> memref<10000x128xf32, #tpu.memory_space<hbm>>
    tpu.enqueue_indirect_dma source(%dma_start3A_29 : memref<10000x128xf32, #tpu.memory_space<hbm>>) target(%arg11 : memref<80x128xf32, #tpu.memory_space<vmem>>) offsets(%dma_start3A_26 : memref<80xi32, #tpu.memory_space<vmem>>) semaphore(%arg18 : memref<!tpu.dma_semaphore, #tpu.memory_space<semaphore_mem>>)
    %scan3A = arith.constant 0 : i32
    %scan3A_30 = arith.constant 42 : i32
    %scan3A_31 = arith.addi %scan3A, %scan3A_30 : i32
    %scan3A_32 = arith.constant 1 : i32
    scf.for %scan3A_45 = %scan3A to %scan3A_31 step %scan3A_32  : i32 {
      %mul3A_46 = arith.constant 3 : i32
      %mul3A_47 = arith.muli %scan3A_45, %mul3A_46 : i32
      %add3A_48 = arith.constant 0 : i32
      %add3A_49 = arith.addi %add3A_48, %mul3A_47 : i32
      %add3A_50 = arith.constant 0 : i32
      %add3A_51 = arith.addi %add3A_49, %add3A_50 : i32
      %lt3A_52 = arith.constant 125 : i32
      %lt3A_53 = arith.cmpi slt, %add3A_51, %lt3A_52 : i32
      %convert_element_type3A_54 = arith.extui %lt3A_53 : i1 to i32
      %cond3A_55 = arith.constant 0 : i32
      %cond3A_56 = arith.cmpi ne, %convert_element_type3A_54, %cond3A_55 : i32
      scf.if %cond3A_56 {
        %dma_wait3A = tpu.memref_slice %arg3[%mul3A_2] : memref<640000xi32, #tpu.memory_space<hbm>> -> memref<80xi32, #tpu.memory_space<hbm>>
        %dma_wait3A_71 = tpu.memref_slice %arg3[%mul3A_2] : memref<640000xi32, #tpu.memory_space<hbm>> -> memref<80xi32, #tpu.memory_space<hbm>>
        tpu.wait_dma2 semaphore(%arg14 : memref<!tpu.dma_semaphore, #tpu.memory_space<semaphore_mem>>) src(%dma_wait3A_71 : memref<80xi32, #tpu.memory_space<hbm>>) dst(%arg7 : memref<80xi32, #tpu.memory_space<vmem>>)
        %dma_wait3A_72 = arith.constant 0 : i32
        %dma_wait3A_73 = arith.constant 0 : i32
        %dma_wait3A_74 = tpu.memref_slice %arg2[%dma_wait3A_72, %dma_wait3A_73] : memref<10000x128xf32, #tpu.memory_space<hbm>> -> memref<80x128xf32, #tpu.memory_space<hbm>>
        %dma_wait3A_75 = arith.constant 0 : i32
        %dma_wait3A_76 = arith.constant 0 : i32
        %dma_wait3A_77 = tpu.memref_slice %arg2[%dma_wait3A_75, %dma_wait3A_76] : memref<10000x128xf32, #tpu.memory_space<hbm>> -> memref<80x128xf32, #tpu.memory_space<hbm>>
        tpu.wait_dma2 semaphore(%arg17 : memref<!tpu.dma_semaphore, #tpu.memory_space<semaphore_mem>>) src(%dma_wait3A_77 : memref<80x128xf32, #tpu.memory_space<hbm>>) dst(%arg10 : memref<80x128xf32, #tpu.memory_space<vmem>>)
        %add3A_78 = arith.constant 2 : i32
        %add3A_79 = arith.addi %add3A_51, %add3A_78 : i32
        %lt3A_80 = arith.constant 125 : i32
        %lt3A_81 = arith.cmpi slt, %add3A_79, %lt3A_80 : i32
        %convert_element_type3A_82 = arith.extui %lt3A_81 : i1 to i32
        %cond3A_83 = arith.constant 0 : i32
        %cond3A_84 = arith.cmpi ne, %convert_element_type3A_82, %cond3A_83 : i32
        scf.if %cond3A_84 {
          %add3A_85 = arith.constant 2 : i32
          %add3A_86 = arith.addi %add3A_51, %add3A_85 : i32
          %add3A_87 = arith.constant 320000 : i32
          %add3A_88 = arith.addi %add3A_87, %mul3A_2 : i32
          %mul3A_89 = arith.constant 80 : i32
          %mul3A_90 = arith.muli %add3A_86, %mul3A_89 : i32
          %add3A_91 = arith.addi %add3A_88, %mul3A_90 : i32
          %dma_start3A_92 = tpu.memref_slice %arg3[%add3A_91] : memref<640000xi32, #tpu.memory_space<hbm>> -> memref<80xi32, #tpu.memory_space<hbm>>
          %dma_start3A_93 = tpu.memref_slice %arg3[%add3A_91] : memref<640000xi32, #tpu.memory_space<hbm>> -> memref<80xi32, #tpu.memory_space<hbm>>
          tpu.enqueue_dma source(%dma_start3A_93 : memref<80xi32, #tpu.memory_space<hbm>>) target(%arg9 : memref<80xi32, #tpu.memory_space<vmem>>) target_semaphore(%arg16 : memref<!tpu.dma_semaphore, #tpu.memory_space<semaphore_mem>>)
          %mul3A_94 = arith.constant 80 : i32
          %mul3A_95 = arith.muli %add3A_86, %mul3A_94 : i32
          %dma_start3A_96 = tpu.memref_slice %arg6[%mul3A_95] : memref<10000xi32, #tpu.memory_space<vmem>> -> memref<80xi32, #tpu.memory_space<vmem>>
          %dma_start3A_97 = arith.constant 0 : i32
          %dma_start3A_98 = arith.constant 0 : i32
          %dma_start3A_99 = tpu.memref_slice %arg2[%dma_start3A_97, %dma_start3A_98] : memref<10000x128xf32, #tpu.memory_space<hbm>> -> memref<10000x128xf32, #tpu.memory_space<hbm>>
          tpu.enqueue_indirect_dma source(%dma_start3A_99 : memref<10000x128xf32, #tpu.memory_space<hbm>>) target(%arg12 : memref<80x128xf32, #tpu.memory_space<vmem>>) offsets(%dma_start3A_96 : memref<80xi32, #tpu.memory_space<vmem>>) semaphore(%arg19 : memref<!tpu.dma_semaphore, #tpu.memory_space<semaphore_mem>>)
        } else {
        }
        "tpu.region"() ({
          %run_scoped3A = tpu.sem_alloc : memref<!tpu.dma_semaphore, #tpu.memory_space<semaphore_mem>>
          %dma_start3A_85 = arith.constant 0 : i32
          %dma_start3A_86 = arith.constant 0 : i32
          %dma_start3A_87 = tpu.memref_slice %arg13[%dma_start3A_85, %dma_start3A_86] : memref<10000x128xf32, #tpu.memory_space<vmem_shared>> -> memref<10000x128xf32, #tpu.memory_space<vmem_shared>>
          tpu.enqueue_indirect_dma source(%arg10 : memref<80x128xf32, #tpu.memory_space<vmem>>) target(%dma_start3A_87 : memref<10000x128xf32, #tpu.memory_space<vmem_shared>>) offsets(%arg7 : memref<80xi32, #tpu.memory_space<vmem>>) semaphore(%run_scoped3A : memref<!tpu.dma_semaphore, #tpu.memory_space<semaphore_mem>>) {add = true}
          %dma_wait3A_88 = arith.constant 0 : i32
          %dma_wait3A_89 = arith.constant 0 : i32
          %dma_wait3A_90 = tpu.memref_slice %arg13[%dma_wait3A_88, %dma_wait3A_89] : memref<10000x128xf32, #tpu.memory_space<vmem_shared>> -> memref<10000x128xf32, #tpu.memory_space<vmem_shared>>
          tpu.wait_indirect_dma semaphore(%run_scoped3A : memref<!tpu.dma_semaphore, #tpu.memory_space<semaphore_mem>>) src(%arg10 : memref<80x128xf32, #tpu.memory_space<vmem>>) dst(%dma_wait3A_90 : memref<10000x128xf32, #tpu.memory_space<vmem_shared>>)
          tpu.yield
        }) : () -> ()
      } else {
      }
      %add3A_57 = arith.constant 1 : i32
      %add3A_58 = arith.addi %add3A_49, %add3A_57 : i32
      %lt3A_59 = arith.constant 125 : i32
      %lt3A_60 = arith.cmpi slt, %add3A_58, %lt3A_59 : i32
      %convert_element_type3A_61 = arith.extui %lt3A_60 : i1 to i32
      %cond3A_62 = arith.constant 0 : i32
      %cond3A_63 = arith.cmpi ne, %convert_element_type3A_61, %cond3A_62 : i32
      scf.if %cond3A_63 {
        %dma_wait3A = tpu.memref_slice %arg3[%mul3A_2] : memref<640000xi32, #tpu.memory_space<hbm>> -> memref<80xi32, #tpu.memory_space<hbm>>
        %dma_wait3A_71 = tpu.memref_slice %arg3[%mul3A_2] : memref<640000xi32, #tpu.memory_space<hbm>> -> memref<80xi32, #tpu.memory_space<hbm>>
        tpu.wait_dma2 semaphore(%arg15 : memref<!tpu.dma_semaphore, #tpu.memory_space<semaphore_mem>>) src(%dma_wait3A_71 : memref<80xi32, #tpu.memory_space<hbm>>) dst(%arg8 : memref<80xi32, #tpu.memory_space<vmem>>)
        %dma_wait3A_72 = arith.constant 0 : i32
        %dma_wait3A_73 = arith.constant 0 : i32
        %dma_wait3A_74 = tpu.memref_slice %arg2[%dma_wait3A_72, %dma_wait3A_73] : memref<10000x128xf32, #tpu.memory_space<hbm>> -> memref<80x128xf32, #tpu.memory_space<hbm>>
        %dma_wait3A_75 = arith.constant 0 : i32
        %dma_wait3A_76 = arith.constant 0 : i32
        %dma_wait3A_77 = tpu.memref_slice %arg2[%dma_wait3A_75, %dma_wait3A_76] : memref<10000x128xf32, #tpu.memory_space<hbm>> -> memref<80x128xf32, #tpu.memory_space<hbm>>
        tpu.wait_dma2 semaphore(%arg18 : memref<!tpu.dma_semaphore, #tpu.memory_space<semaphore_mem>>) src(%dma_wait3A_77 : memref<80x128xf32, #tpu.memory_space<hbm>>) dst(%arg11 : memref<80x128xf32, #tpu.memory_space<vmem>>)
        %add3A_78 = arith.constant 2 : i32
        %add3A_79 = arith.addi %add3A_58, %add3A_78 : i32
        %lt3A_80 = arith.constant 125 : i32
        %lt3A_81 = arith.cmpi slt, %add3A_79, %lt3A_80 : i32
        %convert_element_type3A_82 = arith.extui %lt3A_81 : i1 to i32
        %cond3A_83 = arith.constant 0 : i32
        %cond3A_84 = arith.cmpi ne, %convert_element_type3A_82, %cond3A_83 : i32
        scf.if %cond3A_84 {
          %add3A_85 = arith.constant 2 : i32
          %add3A_86 = arith.addi %add3A_58, %add3A_85 : i32
          %add3A_87 = arith.constant 320000 : i32
          %add3A_88 = arith.addi %add3A_87, %mul3A_2 : i32
          %mul3A_89 = arith.constant 80 : i32
          %mul3A_90 = arith.muli %add3A_86, %mul3A_89 : i32
          %add3A_91 = arith.addi %add3A_88, %mul3A_90 : i32
          %dma_start3A_92 = tpu.memref_slice %arg3[%add3A_91] : memref<640000xi32, #tpu.memory_space<hbm>> -> memref<80xi32, #tpu.memory_space<hbm>>
          %dma_start3A_93 = tpu.memref_slice %arg3[%add3A_91] : memref<640000xi32, #tpu.memory_space<hbm>> -> memref<80xi32, #tpu.memory_space<hbm>>
          tpu.enqueue_dma source(%dma_start3A_93 : memref<80xi32, #tpu.memory_space<hbm>>) target(%arg7 : memref<80xi32, #tpu.memory_space<vmem>>) target_semaphore(%arg14 : memref<!tpu.dma_semaphore, #tpu.memory_space<semaphore_mem>>)
          %mul3A_94 = arith.constant 80 : i32
          %mul3A_95 = arith.muli %add3A_86, %mul3A_94 : i32
          %dma_start3A_96 = tpu.memref_slice %arg6[%mul3A_95] : memref<10000xi32, #tpu.memory_space<vmem>> -> memref<80xi32, #tpu.memory_space<vmem>>
          %dma_start3A_97 = arith.constant 0 : i32
          %dma_start3A_98 = arith.constant 0 : i32
          %dma_start3A_99 = tpu.memref_slice %arg2[%dma_start3A_97, %dma_start3A_98] : memref<10000x128xf32, #tpu.memory_space<hbm>> -> memref<10000x128xf32, #tpu.memory_space<hbm>>
          tpu.enqueue_indirect_dma source(%dma_start3A_99 : memref<10000x128xf32, #tpu.memory_space<hbm>>) target(%arg10 : memref<80x128xf32, #tpu.memory_space<vmem>>) offsets(%dma_start3A_96 : memref<80xi32, #tpu.memory_space<vmem>>) semaphore(%arg17 : memref<!tpu.dma_semaphore, #tpu.memory_space<semaphore_mem>>)
        } else {
        }
        "tpu.region"() ({
          %run_scoped3A = tpu.sem_alloc : memref<!tpu.dma_semaphore, #tpu.memory_space<semaphore_mem>>
          %dma_start3A_85 = arith.constant 0 : i32
          %dma_start3A_86 = arith.constant 0 : i32
          %dma_start3A_87 = tpu.memref_slice %arg13[%dma_start3A_85, %dma_start3A_86] : memref<10000x128xf32, #tpu.memory_space<vmem_shared>> -> memref<10000x128xf32, #tpu.memory_space<vmem_shared>>
          tpu.enqueue_indirect_dma source(%arg11 : memref<80x128xf32, #tpu.memory_space<vmem>>) target(%dma_start3A_87 : memref<10000x128xf32, #tpu.memory_space<vmem_shared>>) offsets(%arg8 : memref<80xi32, #tpu.memory_space<vmem>>) semaphore(%run_scoped3A : memref<!tpu.dma_semaphore, #tpu.memory_space<semaphore_mem>>) {add = true}
          %dma_wait3A_88 = arith.constant 0 : i32
          %dma_wait3A_89 = arith.constant 0 : i32
          %dma_wait3A_90 = tpu.memref_slice %arg13[%dma_wait3A_88, %dma_wait3A_89] : memref<10000x128xf32, #tpu.memory_space<vmem_shared>> -> memref<10000x128xf32, #tpu.memory_space<vmem_shared>>
          tpu.wait_indirect_dma semaphore(%run_scoped3A : memref<!tpu.dma_semaphore, #tpu.memory_space<semaphore_mem>>) src(%arg11 : memref<80x128xf32, #tpu.memory_space<vmem>>) dst(%dma_wait3A_90 : memref<10000x128xf32, #tpu.memory_space<vmem_shared>>)
          tpu.yield
        }) : () -> ()
      } else {
      }
      %add3A_64 = arith.constant 2 : i32
      %add3A_65 = arith.addi %add3A_49, %add3A_64 : i32
      %lt3A_66 = arith.constant 125 : i32
      %lt3A_67 = arith.cmpi slt, %add3A_65, %lt3A_66 : i32
      %convert_element_type3A_68 = arith.extui %lt3A_67 : i1 to i32
      %cond3A_69 = arith.constant 0 : i32
      %cond3A_70 = arith.cmpi ne, %convert_element_type3A_68, %cond3A_69 : i32
      scf.if %cond3A_70 {
        %dma_wait3A = tpu.memref_slice %arg3[%mul3A_2] : memref<640000xi32, #tpu.memory_space<hbm>> -> memref<80xi32, #tpu.memory_space<hbm>>
        %dma_wait3A_71 = tpu.memref_slice %arg3[%mul3A_2] : memref<640000xi32, #tpu.memory_space<hbm>> -> memref<80xi32, #tpu.memory_space<hbm>>
        tpu.wait_dma2 semaphore(%arg16 : memref<!tpu.dma_semaphore, #tpu.memory_space<semaphore_mem>>) src(%dma_wait3A_71 : memref<80xi32, #tpu.memory_space<hbm>>) dst(%arg9 : memref<80xi32, #tpu.memory_space<vmem>>)
        %dma_wait3A_72 = arith.constant 0 : i32
        %dma_wait3A_73 = arith.constant 0 : i32
        %dma_wait3A_74 = tpu.memref_slice %arg2[%dma_wait3A_72, %dma_wait3A_73] : memref<10000x128xf32, #tpu.memory_space<hbm>> -> memref<80x128xf32, #tpu.memory_space<hbm>>
        %dma_wait3A_75 = arith.constant 0 : i32
        %dma_wait3A_76 = arith.constant 0 : i32
        %dma_wait3A_77 = tpu.memref_slice %arg2[%dma_wait3A_75, %dma_wait3A_76] : memref<10000x128xf32, #tpu.memory_space<hbm>> -> memref<80x128xf32, #tpu.memory_space<hbm>>
        tpu.wait_dma2 semaphore(%arg19 : memref<!tpu.dma_semaphore, #tpu.memory_space<semaphore_mem>>) src(%dma_wait3A_77 : memref<80x128xf32, #tpu.memory_space<hbm>>) dst(%arg12 : memref<80x128xf32, #tpu.memory_space<vmem>>)
        %add3A_78 = arith.constant 2 : i32
        %add3A_79 = arith.addi %add3A_65, %add3A_78 : i32
        %lt3A_80 = arith.constant 125 : i32
        %lt3A_81 = arith.cmpi slt, %add3A_79, %lt3A_80 : i32
        %convert_element_type3A_82 = arith.extui %lt3A_81 : i1 to i32
        %cond3A_83 = arith.constant 0 : i32
        %cond3A_84 = arith.cmpi ne, %convert_element_type3A_82, %cond3A_83 : i32
        scf.if %cond3A_84 {
          %add3A_85 = arith.constant 2 : i32
          %add3A_86 = arith.addi %add3A_65, %add3A_85 : i32
          %add3A_87 = arith.constant 320000 : i32
          %add3A_88 = arith.addi %add3A_87, %mul3A_2 : i32
          %mul3A_89 = arith.constant 80 : i32
          %mul3A_90 = arith.muli %add3A_86, %mul3A_89 : i32
          %add3A_91 = arith.addi %add3A_88, %mul3A_90 : i32
          %dma_start3A_92 = tpu.memref_slice %arg3[%add3A_91] : memref<640000xi32, #tpu.memory_space<hbm>> -> memref<80xi32, #tpu.memory_space<hbm>>
          %dma_start3A_93 = tpu.memref_slice %arg3[%add3A_91] : memref<640000xi32, #tpu.memory_space<hbm>> -> memref<80xi32, #tpu.memory_space<hbm>>
          tpu.enqueue_dma source(%dma_start3A_93 : memref<80xi32, #tpu.memory_space<hbm>>) target(%arg8 : memref<80xi32, #tpu.memory_space<vmem>>) target_semaphore(%arg15 : memref<!tpu.dma_semaphore, #tpu.memory_space<semaphore_mem>>)
          %mul3A_94 = arith.constant 80 : i32
          %mul3A_95 = arith.muli %add3A_86, %mul3A_94 : i32
          %dma_start3A_96 = tpu.memref_slice %arg6[%mul3A_95] : memref<10000xi32, #tpu.memory_space<vmem>> -> memref<80xi32, #tpu.memory_space<vmem>>
          %dma_start3A_97 = arith.constant 0 : i32
          %dma_start3A_98 = arith.constant 0 : i32
          %dma_start3A_99 = tpu.memref_slice %arg2[%dma_start3A_97, %dma_start3A_98] : memref<10000x128xf32, #tpu.memory_space<hbm>> -> memref<10000x128xf32, #tpu.memory_space<hbm>>
          tpu.enqueue_indirect_dma source(%dma_start3A_99 : memref<10000x128xf32, #tpu.memory_space<hbm>>) target(%arg11 : memref<80x128xf32, #tpu.memory_space<vmem>>) offsets(%dma_start3A_96 : memref<80xi32, #tpu.memory_space<vmem>>) semaphore(%arg18 : memref<!tpu.dma_semaphore, #tpu.memory_space<semaphore_mem>>)
        } else {
        }
        "tpu.region"() ({
          %run_scoped3A = tpu.sem_alloc : memref<!tpu.dma_semaphore, #tpu.memory_space<semaphore_mem>>
          %dma_start3A_85 = arith.constant 0 : i32
          %dma_start3A_86 = arith.constant 0 : i32
          %dma_start3A_87 = tpu.memref_slice %arg13[%dma_start3A_85, %dma_start3A_86] : memref<10000x128xf32, #tpu.memory_space<vmem_shared>> -> memref<10000x128xf32, #tpu.memory_space<vmem_shared>>
          tpu.enqueue_indirect_dma source(%arg12 : memref<80x128xf32, #tpu.memory_space<vmem>>) target(%dma_start3A_87 : memref<10000x128xf32, #tpu.memory_space<vmem_shared>>) offsets(%arg9 : memref<80xi32, #tpu.memory_space<vmem>>) semaphore(%run_scoped3A : memref<!tpu.dma_semaphore, #tpu.memory_space<semaphore_mem>>) {add = true}
          %dma_wait3A_88 = arith.constant 0 : i32
          %dma_wait3A_89 = arith.constant 0 : i32
          %dma_wait3A_90 = tpu.memref_slice %arg13[%dma_wait3A_88, %dma_wait3A_89] : memref<10000x128xf32, #tpu.memory_space<vmem_shared>> -> memref<10000x128xf32, #tpu.memory_space<vmem_shared>>
          tpu.wait_indirect_dma semaphore(%run_scoped3A : memref<!tpu.dma_semaphore, #tpu.memory_space<semaphore_mem>>) src(%arg12 : memref<80x128xf32, #tpu.memory_space<vmem>>) dst(%dma_wait3A_90 : memref<10000x128xf32, #tpu.memory_space<vmem_shared>>)
          tpu.yield
        }) : () -> ()
      } else {
      }
    }
    %scan3A_33 = arith.constant 42 : i32
    %barrier3A_34 = arith.constant 0 : index
    tpu.barrier barrier_id(%barrier3A_34)
    %lt3A_35 = arith.constant 15 : i32
    %lt3A_36 = arith.cmpi slt, %arg1, %lt3A_35 : i32
    %convert_element_type3A_37 = arith.extui %lt3A_36 : i1 to i32
    %cond3A_38 = arith.constant 0 : i32
    %cond3A_39 = arith.cmpi ne, %convert_element_type3A_37, %cond3A_38 : i32
    scf.if %cond3A_39 {
      %mul3A_45 = arith.constant 624 : i32
      %mul3A_46 = arith.muli %arg1, %mul3A_45 : i32
      %mul3A_47 = arith.constant 624 : i32
      %mul3A_48 = arith.muli %arg1, %mul3A_47 : i32
      "tpu.region"() ({
        %run_scoped3A = tpu.sem_alloc : memref<!tpu.dma_semaphore, #tpu.memory_space<semaphore_mem>>
        %dma_start3A_49 = arith.constant 0 : i32
        %dma_start3A_50 = tpu.memref_slice %arg5[%arg0, %mul3A_48, %dma_start3A_49] : memref<2x10000x128xf32, #tpu.memory_space<hbm>> -> memref<1x624x128xf32, #tpu.memory_space<hbm>>
        %dma_start3A_51 = tpu.memref_squeeze %dma_start3A_50 : memref<1x624x128xf32, #tpu.memory_space<hbm>> -> memref<624x128xf32, #tpu.memory_space<hbm>>
        %dma_start3A_52 = arith.constant 0 : i32
        %dma_start3A_53 = tpu.memref_slice %arg13[%mul3A_46, %dma_start3A_52] : memref<10000x128xf32, #tpu.memory_space<vmem_shared>> -> memref<624x128xf32, #tpu.memory_space<vmem_shared>>
        tpu.enqueue_dma source(%dma_start3A_53 : memref<624x128xf32, #tpu.memory_space<vmem_shared>>) target(%dma_start3A_51 : memref<624x128xf32, #tpu.memory_space<hbm>>) target_semaphore(%run_scoped3A : memref<!tpu.dma_semaphore, #tpu.memory_space<semaphore_mem>>)
        %dma_wait3A = arith.constant 0 : i32
        %dma_wait3A_54 = tpu.memref_slice %arg5[%arg0, %mul3A_48, %dma_wait3A] : memref<2x10000x128xf32, #tpu.memory_space<hbm>> -> memref<1x624x128xf32, #tpu.memory_space<hbm>>
        %dma_wait3A_55 = tpu.memref_squeeze %dma_wait3A_54 : memref<1x624x128xf32, #tpu.memory_space<hbm>> -> memref<624x128xf32, #tpu.memory_space<hbm>>
        %dma_wait3A_56 = arith.constant 0 : i32
        %dma_wait3A_57 = tpu.memref_slice %arg13[%mul3A_46, %dma_wait3A_56] : memref<10000x128xf32, #tpu.memory_space<vmem_shared>> -> memref<624x128xf32, #tpu.memory_space<vmem_shared>>
        tpu.wait_dma2 semaphore(%run_scoped3A : memref<!tpu.dma_semaphore, #tpu.memory_space<semaphore_mem>>) src(%dma_wait3A_57 : memref<624x128xf32, #tpu.memory_space<vmem_shared>>) dst(%dma_wait3A_55 : memref<624x128xf32, #tpu.memory_space<hbm>>)
        tpu.yield
      }) : () -> ()
    } else {
    }
    %eq3A_40 = arith.constant 15 : i32
    %eq3A_41 = arith.cmpi eq, %arg1, %eq3A_40 : i32
    %convert_element_type3A_42 = arith.extui %eq3A_41 : i1 to i32
    %cond3A_43 = arith.constant 0 : i32
    %cond3A_44 = arith.cmpi ne, %convert_element_type3A_42, %cond3A_43 : i32
    scf.if %cond3A_44 {
      "tpu.region"() ({
        %run_scoped3A = tpu.sem_alloc : memref<!tpu.dma_semaphore, #tpu.memory_space<semaphore_mem>>
        %dma_start3A_45 = arith.constant 9360 : i32
        %dma_start3A_46 = arith.constant 0 : i32
        %dma_start3A_47 = tpu.memref_slice %arg5[%arg0, %dma_start3A_45, %dma_start3A_46] : memref<2x10000x128xf32, #tpu.memory_space<hbm>> -> memref<1x640x128xf32, #tpu.memory_space<hbm>>
        %dma_start3A_48 = tpu.memref_squeeze %dma_start3A_47 : memref<1x640x128xf32, #tpu.memory_space<hbm>> -> memref<640x128xf32, #tpu.memory_space<hbm>>
        %dma_start3A_49 = arith.constant 9360 : i32
        %dma_start3A_50 = arith.constant 0 : i32
        %dma_start3A_51 = tpu.memref_slice %arg13[%dma_start3A_49, %dma_start3A_50] : memref<10000x128xf32, #tpu.memory_space<vmem_shared>> -> memref<640x128xf32, #tpu.memory_space<vmem_shared>>
        tpu.enqueue_dma source(%dma_start3A_51 : memref<640x128xf32, #tpu.memory_space<vmem_shared>>) target(%dma_start3A_48 : memref<640x128xf32, #tpu.memory_space<hbm>>) target_semaphore(%run_scoped3A : memref<!tpu.dma_semaphore, #tpu.memory_space<semaphore_mem>>)
        %dma_wait3A = arith.constant 9360 : i32
        %dma_wait3A_52 = arith.constant 0 : i32
        %dma_wait3A_53 = tpu.memref_slice %arg5[%arg0, %dma_wait3A, %dma_wait3A_52] : memref<2x10000x128xf32, #tpu.memory_space<hbm>> -> memref<1x640x128xf32, #tpu.memory_space<hbm>>
        %dma_wait3A_54 = tpu.memref_squeeze %dma_wait3A_53 : memref<1x640x128xf32, #tpu.memory_space<hbm>> -> memref<640x128xf32, #tpu.memory_space<hbm>>
        %dma_wait3A_55 = arith.constant 9360 : i32
        %dma_wait3A_56 = arith.constant 0 : i32
        %dma_wait3A_57 = tpu.memref_slice %arg13[%dma_wait3A_55, %dma_wait3A_56] : memref<10000x128xf32, #tpu.memory_space<vmem_shared>> -> memref<640x128xf32, #tpu.memory_space<vmem_shared>>
        tpu.wait_dma2 semaphore(%run_scoped3A : memref<!tpu.dma_semaphore, #tpu.memory_space<semaphore_mem>>) src(%dma_wait3A_57 : memref<640x128xf32, #tpu.memory_space<vmem_shared>>) dst(%dma_wait3A_54 : memref<640x128xf32, #tpu.memory_space<hbm>>)
        tpu.yield
      }) : () -> ()
    } else {
    }
    return
  }
}

#map = affine_map<(d0, d1) -> (0, 0)>
#map1 = affine_map<(d0, d1) -> (0)>
#map2 = affine_map<(d0, d1) -> (0, 0, 0)>
module attributes {stable_mosaic.version = 14 : i64} {
  func.func @seg_sum(%arg0: i32, %arg1: i32, %arg2: memref<10000x128xf32, #tpu.memory_space<hbm>>, %arg3: memref<640000xi32, #tpu.memory_space<hbm>>, %arg4: memref<10000x128xf32, #tpu.memory_space<hbm>>, %arg5: memref<2x10000x128xf32, #tpu.memory_space<hbm>>, %arg6: memref<10000xi32, #tpu.memory_space<vmem>>, %arg7: memref<80xi32, #tpu.memory_space<vmem>>, %arg8: memref<80xi32, #tpu.memory_space<vmem>>, %arg9: memref<80xi32, #tpu.memory_space<vmem>>, %arg10: memref<80x128xf32, #tpu.memory_space<vmem>>, %arg11: memref<80x128xf32, #tpu.memory_space<vmem>>, %arg12: memref<80x128xf32, #tpu.memory_space<vmem>>, %arg13: memref<10000x128xf32, #tpu.memory_space<vmem_shared>>, %arg14: memref<!tpu.dma_semaphore, #tpu.memory_space<semaphore_mem>>, %arg15: memref<!tpu.dma_semaphore, #tpu.memory_space<semaphore_mem>>, %arg16: memref<!tpu.dma_semaphore, #tpu.memory_space<semaphore_mem>>, %arg17: memref<!tpu.dma_semaphore, #tpu.memory_space<semaphore_mem>>, %arg18: memref<!tpu.dma_semaphore, #tpu.memory_space<semaphore_mem>>, %arg19: memref<!tpu.dma_semaphore, #tpu.memory_space<semaphore_mem>>) attributes {dimension_semantics = [#tpu.dimension_semantics<core_parallel>, #tpu.dimension_semantics<subcore_parallel>], iteration_bounds = array<i64: 2, 16>, scalar_prefetch = 0 : i64, scratch_operands = 14 : i64, tpu.core_type = #tpu.core_type<sc_vector_subcore>, window_params = [{transform_indices = #map}, {transform_indices = #map1}, {transform_indices = #map}, {transform_indices = #map2}]} {
    %mul3A = arith.constant 2 : i32
    %mul3A_0 = arith.muli %arg1, %mul3A : i32
    %add3A = arith.addi %mul3A_0, %arg0 : i32
    %mul3A_1 = arith.constant 10000 : i32
    %mul3A_2 = arith.muli %add3A, %mul3A_1 : i32
    %lt3A = arith.constant 15 : i32
    %lt3A_3 = arith.cmpi slt, %arg1, %lt3A : i32
    %convert_element_type3A = arith.extui %lt3A_3 : i1 to i32
    %cond3A = arith.constant 0 : i32
    %cond3A_4 = arith.cmpi ne, %convert_element_type3A, %cond3A : i32
    scf.if %cond3A_4 {
      %mul3A_45 = arith.constant 624 : i32
      %mul3A_46 = arith.muli %arg1, %mul3A_45 : i32
      %mul3A_47 = arith.constant 624 : i32
      %mul3A_48 = arith.muli %arg1, %mul3A_47 : i32
      "tpu.region"() ({
        %run_scoped3A = tpu.sem_alloc : memref<!tpu.dma_semaphore, #tpu.memory_space<semaphore_mem>>
        %dma_start3A_49 = arith.constant 0 : i32
        %dma_start3A_50 = tpu.memref_slice %arg13[%mul3A_48, %dma_start3A_49] : memref<10000x128xf32, #tpu.memory_space<vmem_shared>> -> memref<624x128xf32, #tpu.memory_space<vmem_shared>>
        %dma_start3A_51 = arith.constant 0 : i32
        %dma_start3A_52 = tpu.memref_slice %arg4[%mul3A_46, %dma_start3A_51] : memref<10000x128xf32, #tpu.memory_space<hbm>> -> memref<624x128xf32, #tpu.memory_space<hbm>>
        tpu.enqueue_dma source(%dma_start3A_52 : memref<624x128xf32, #tpu.memory_space<hbm>>) target(%dma_start3A_50 : memref<624x128xf32, #tpu.memory_space<vmem_shared>>) target_semaphore(%run_scoped3A : memref<!tpu.dma_semaphore, #tpu.memory_space<semaphore_mem>>)
        %dma_wait3A = arith.constant 0 : i32
        %dma_wait3A_53 = tpu.memref_slice %arg13[%mul3A_48, %dma_wait3A] : memref<10000x128xf32, #tpu.memory_space<vmem_shared>> -> memref<624x128xf32, #tpu.memory_space<vmem_shared>>
        %dma_wait3A_54 = arith.constant 0 : i32
        %dma_wait3A_55 = tpu.memref_slice %arg4[%mul3A_46, %dma_wait3A_54] : memref<10000x128xf32, #tpu.memory_space<hbm>> -> memref<624x128xf32, #tpu.memory_space<hbm>>
        tpu.wait_dma2 semaphore(%run_scoped3A : memref<!tpu.dma_semaphore, #tpu.memory_space<semaphore_mem>>) src(%dma_wait3A_55 : memref<624x128xf32, #tpu.memory_space<hbm>>) dst(%dma_wait3A_53 : memref<624x128xf32, #tpu.memory_space<vmem_shared>>)
        tpu.yield
      }) : () -> ()
    } else {
    }
    %eq3A = arith.constant 15 : i32
    %eq3A_5 = arith.cmpi eq, %arg1, %eq3A : i32
    %convert_element_type3A_6 = arith.extui %eq3A_5 : i1 to i32
    %cond3A_7 = arith.constant 0 : i32
    %cond3A_8 = arith.cmpi ne, %convert_element_type3A_6, %cond3A_7 : i32
    scf.if %cond3A_8 {
      "tpu.region"() ({
        %run_scoped3A = tpu.sem_alloc : memref<!tpu.dma_semaphore, #tpu.memory_space<semaphore_mem>>
        %dma_start3A_45 = arith.constant 9360 : i32
        %dma_start3A_46 = arith.constant 0 : i32
        %dma_start3A_47 = tpu.memref_slice %arg13[%dma_start3A_45, %dma_start3A_46] : memref<10000x128xf32, #tpu.memory_space<vmem_shared>> -> memref<640x128xf32, #tpu.memory_space<vmem_shared>>
        %dma_start3A_48 = arith.constant 9360 : i32
        %dma_start3A_49 = arith.constant 0 : i32
        %dma_start3A_50 = tpu.memref_slice %arg4[%dma_start3A_48, %dma_start3A_49] : memref<10000x128xf32, #tpu.memory_space<hbm>> -> memref<640x128xf32, #tpu.memory_space<hbm>>
        tpu.enqueue_dma source(%dma_start3A_50 : memref<640x128xf32, #tpu.memory_space<hbm>>) target(%dma_start3A_47 : memref<640x128xf32, #tpu.memory_space<vmem_shared>>) target_semaphore(%run_scoped3A : memref<!tpu.dma_semaphore, #tpu.memory_space<semaphore_mem>>)
        %dma_wait3A = arith.constant 9360 : i32
        %dma_wait3A_51 = arith.constant 0 : i32
        %dma_wait3A_52 = tpu.memref_slice %arg13[%dma_wait3A, %dma_wait3A_51] : memref<10000x128xf32, #tpu.memory_space<vmem_shared>> -> memref<640x128xf32, #tpu.memory_space<vmem_shared>>
        %dma_wait3A_53 = arith.constant 9360 : i32
        %dma_wait3A_54 = arith.constant 0 : i32
        %dma_wait3A_55 = tpu.memref_slice %arg4[%dma_wait3A_53, %dma_wait3A_54] : memref<10000x128xf32, #tpu.memory_space<hbm>> -> memref<640x128xf32, #tpu.memory_space<hbm>>
        tpu.wait_dma2 semaphore(%run_scoped3A : memref<!tpu.dma_semaphore, #tpu.memory_space<semaphore_mem>>) src(%dma_wait3A_55 : memref<640x128xf32, #tpu.memory_space<hbm>>) dst(%dma_wait3A_52 : memref<640x128xf32, #tpu.memory_space<vmem_shared>>)
        tpu.yield
      }) : () -> ()
    } else {
    }
    "tpu.region"() ({
      %run_scoped3A = tpu.sem_alloc : memref<!tpu.dma_semaphore, #tpu.memory_space<semaphore_mem>>
      %dma_start3A_45 = tpu.memref_slice %arg3[%mul3A_2] : memref<640000xi32, #tpu.memory_space<hbm>> -> memref<10000xi32, #tpu.memory_space<hbm>>
      %dma_start3A_46 = tpu.memref_slice %arg3[%mul3A_2] : memref<640000xi32, #tpu.memory_space<hbm>> -> memref<10000xi32, #tpu.memory_space<hbm>>
      tpu.enqueue_dma source(%dma_start3A_46 : memref<10000xi32, #tpu.memory_space<hbm>>) target(%arg6 : memref<10000xi32, #tpu.memory_space<vmem>>) target_semaphore(%run_scoped3A : memref<!tpu.dma_semaphore, #tpu.memory_space<semaphore_mem>>)
      %dma_wait3A = tpu.memref_slice %arg3[%mul3A_2] : memref<640000xi32, #tpu.memory_space<hbm>> -> memref<10000xi32, #tpu.memory_space<hbm>>
      %dma_wait3A_47 = tpu.memref_slice %arg3[%mul3A_2] : memref<640000xi32, #tpu.memory_space<hbm>> -> memref<10000xi32, #tpu.memory_space<hbm>>
      tpu.wait_dma2 semaphore(%run_scoped3A : memref<!tpu.dma_semaphore, #tpu.memory_space<semaphore_mem>>) src(%dma_wait3A_47 : memref<10000xi32, #tpu.memory_space<hbm>>) dst(%arg6 : memref<10000xi32, #tpu.memory_space<vmem>>)
      tpu.yield
    }) : () -> ()
    %barrier3A = arith.constant 0 : index
    tpu.barrier barrier_id(%barrier3A)
    %add3A_9 = arith.constant 320000 : i32
    %add3A_10 = arith.addi %add3A_9, %mul3A_2 : i32
    %add3A_11 = arith.constant 0 : i32
    %add3A_12 = arith.addi %add3A_10, %add3A_11 : i32
    %dma_start3A = tpu.memref_slice %arg3[%add3A_12] : memref<640000xi32, #tpu.memory_space<hbm>> -> memref<80xi32, #tpu.memory_space<hbm>>
    %dma_start3A_13 = tpu.memref_slice %arg3[%add3A_12] : memref<640000xi32, #tpu.memory_space<hbm>> -> memref<80xi32, #tpu.memory_space<hbm>>
    tpu.enqueue_dma source(%dma_start3A_13 : memref<80xi32, #tpu.memory_space<hbm>>) target(%arg7 : memref<80xi32, #tpu.memory_space<vmem>>) target_semaphore(%arg14 : memref<!tpu.dma_semaphore, #tpu.memory_space<semaphore_mem>>)
    %dma_start3A_14 = arith.constant 0 : i32
    %dma_start3A_15 = tpu.memref_slice %arg6[%dma_start3A_14] : memref<10000xi32, #tpu.memory_space<vmem>> -> memref<80xi32, #tpu.memory_space<vmem>>
    %dma_start3A_16 = arith.constant 0 : i32
    %dma_start3A_17 = arith.constant 0 : i32
    %dma_start3A_18 = tpu.memref_slice %arg2[%dma_start3A_16, %dma_start3A_17] : memref<10000x128xf32, #tpu.memory_space<hbm>> -> memref<10000x128xf32, #tpu.memory_space<hbm>>
    tpu.enqueue_indirect_dma source(%dma_start3A_18 : memref<10000x128xf32, #tpu.memory_space<hbm>>) target(%arg10 : memref<80x128xf32, #tpu.memory_space<vmem>>) offsets(%dma_start3A_15 : memref<80xi32, #tpu.memory_space<vmem>>) semaphore(%arg17 : memref<!tpu.dma_semaphore, #tpu.memory_space<semaphore_mem>>)
    %add3A_19 = arith.constant 320000 : i32
    %add3A_20 = arith.addi %add3A_19, %mul3A_2 : i32
    %add3A_21 = arith.constant 80 : i32
    %add3A_22 = arith.addi %add3A_20, %add3A_21 : i32
    %dma_start3A_23 = tpu.memref_slice %arg3[%add3A_22] : memref<640000xi32, #tpu.memory_space<hbm>> -> memref<80xi32, #tpu.memory_space<hbm>>
    %dma_start3A_24 = tpu.memref_slice %arg3[%add3A_22] : memref<640000xi32, #tpu.memory_space<hbm>> -> memref<80xi32, #tpu.memory_space<hbm>>
    tpu.enqueue_dma source(%dma_start3A_24 : memref<80xi32, #tpu.memory_space<hbm>>) target(%arg8 : memref<80xi32, #tpu.memory_space<vmem>>) target_semaphore(%arg15 : memref<!tpu.dma_semaphore, #tpu.memory_space<semaphore_mem>>)
    %dma_start3A_25 = arith.constant 80 : i32
    %dma_start3A_26 = tpu.memref_slice %arg6[%dma_start3A_25] : memref<10000xi32, #tpu.memory_space<vmem>> -> memref<80xi32, #tpu.memory_space<vmem>>
    %dma_start3A_27 = arith.constant 0 : i32
    %dma_start3A_28 = arith.constant 0 : i32
    %dma_start3A_29 = tpu.memref_slice %arg2[%dma_start3A_27, %dma_start3A_28] : memref<10000x128xf32, #tpu.memory_space<hbm>> -> memref<10000x128xf32, #tpu.memory_space<hbm>>
    tpu.enqueue_indirect_dma source(%dma_start3A_29 : memref<10000x128xf32, #tpu.memory_space<hbm>>) target(%arg11 : memref<80x128xf32, #tpu.memory_space<vmem>>) offsets(%dma_start3A_26 : memref<80xi32, #tpu.memory_space<vmem>>) semaphore(%arg18 : memref<!tpu.dma_semaphore, #tpu.memory_space<semaphore_mem>>)
    %scan3A = arith.constant 0 : i32
    %scan3A_30 = arith.constant 42 : i32
    %scan3A_31 = arith.addi %scan3A, %scan3A_30 : i32
    %scan3A_32 = arith.constant 1 : i32
    scf.for %scan3A_45 = %scan3A to %scan3A_31 step %scan3A_32  : i32 {
      %mul3A_46 = arith.constant 3 : i32
      %mul3A_47 = arith.muli %scan3A_45, %mul3A_46 : i32
      %add3A_48 = arith.constant 0 : i32
      %add3A_49 = arith.addi %add3A_48, %mul3A_47 : i32
      %add3A_50 = arith.constant 0 : i32
      %add3A_51 = arith.addi %add3A_49, %add3A_50 : i32
      %lt3A_52 = arith.constant 125 : i32
      %lt3A_53 = arith.cmpi slt, %add3A_51, %lt3A_52 : i32
      %convert_element_type3A_54 = arith.extui %lt3A_53 : i1 to i32
      %cond3A_55 = arith.constant 0 : i32
      %cond3A_56 = arith.cmpi ne, %convert_element_type3A_54, %cond3A_55 : i32
      scf.if %cond3A_56 {
        %dma_wait3A = tpu.memref_slice %arg3[%mul3A_2] : memref<640000xi32, #tpu.memory_space<hbm>> -> memref<80xi32, #tpu.memory_space<hbm>>
        %dma_wait3A_71 = tpu.memref_slice %arg3[%mul3A_2] : memref<640000xi32, #tpu.memory_space<hbm>> -> memref<80xi32, #tpu.memory_space<hbm>>
        tpu.wait_dma2 semaphore(%arg14 : memref<!tpu.dma_semaphore, #tpu.memory_space<semaphore_mem>>) src(%dma_wait3A_71 : memref<80xi32, #tpu.memory_space<hbm>>) dst(%arg7 : memref<80xi32, #tpu.memory_space<vmem>>)
        %dma_wait3A_72 = arith.constant 0 : i32
        %dma_wait3A_73 = arith.constant 0 : i32
        %dma_wait3A_74 = tpu.memref_slice %arg2[%dma_wait3A_72, %dma_wait3A_73] : memref<10000x128xf32, #tpu.memory_space<hbm>> -> memref<80x128xf32, #tpu.memory_space<hbm>>
        %dma_wait3A_75 = arith.constant 0 : i32
        %dma_wait3A_76 = arith.constant 0 : i32
        %dma_wait3A_77 = tpu.memref_slice %arg2[%dma_wait3A_75, %dma_wait3A_76] : memref<10000x128xf32, #tpu.memory_space<hbm>> -> memref<80x128xf32, #tpu.memory_space<hbm>>
        tpu.wait_dma2 semaphore(%arg17 : memref<!tpu.dma_semaphore, #tpu.memory_space<semaphore_mem>>) src(%dma_wait3A_77 : memref<80x128xf32, #tpu.memory_space<hbm>>) dst(%arg10 : memref<80x128xf32, #tpu.memory_space<vmem>>)
        %add3A_78 = arith.constant 2 : i32
        %add3A_79 = arith.addi %add3A_51, %add3A_78 : i32
        %lt3A_80 = arith.constant 125 : i32
        %lt3A_81 = arith.cmpi slt, %add3A_79, %lt3A_80 : i32
        %convert_element_type3A_82 = arith.extui %lt3A_81 : i1 to i32
        %cond3A_83 = arith.constant 0 : i32
        %cond3A_84 = arith.cmpi ne, %convert_element_type3A_82, %cond3A_83 : i32
        scf.if %cond3A_84 {
          %add3A_85 = arith.constant 2 : i32
          %add3A_86 = arith.addi %add3A_51, %add3A_85 : i32
          %add3A_87 = arith.constant 320000 : i32
          %add3A_88 = arith.addi %add3A_87, %mul3A_2 : i32
          %mul3A_89 = arith.constant 80 : i32
          %mul3A_90 = arith.muli %add3A_86, %mul3A_89 : i32
          %add3A_91 = arith.addi %add3A_88, %mul3A_90 : i32
          %dma_start3A_92 = tpu.memref_slice %arg3[%add3A_91] : memref<640000xi32, #tpu.memory_space<hbm>> -> memref<80xi32, #tpu.memory_space<hbm>>
          %dma_start3A_93 = tpu.memref_slice %arg3[%add3A_91] : memref<640000xi32, #tpu.memory_space<hbm>> -> memref<80xi32, #tpu.memory_space<hbm>>
          tpu.enqueue_dma source(%dma_start3A_93 : memref<80xi32, #tpu.memory_space<hbm>>) target(%arg9 : memref<80xi32, #tpu.memory_space<vmem>>) target_semaphore(%arg16 : memref<!tpu.dma_semaphore, #tpu.memory_space<semaphore_mem>>)
          %mul3A_94 = arith.constant 80 : i32
          %mul3A_95 = arith.muli %add3A_86, %mul3A_94 : i32
          %dma_start3A_96 = tpu.memref_slice %arg6[%mul3A_95] : memref<10000xi32, #tpu.memory_space<vmem>> -> memref<80xi32, #tpu.memory_space<vmem>>
          %dma_start3A_97 = arith.constant 0 : i32
          %dma_start3A_98 = arith.constant 0 : i32
          %dma_start3A_99 = tpu.memref_slice %arg2[%dma_start3A_97, %dma_start3A_98] : memref<10000x128xf32, #tpu.memory_space<hbm>> -> memref<10000x128xf32, #tpu.memory_space<hbm>>
          tpu.enqueue_indirect_dma source(%dma_start3A_99 : memref<10000x128xf32, #tpu.memory_space<hbm>>) target(%arg12 : memref<80x128xf32, #tpu.memory_space<vmem>>) offsets(%dma_start3A_96 : memref<80xi32, #tpu.memory_space<vmem>>) semaphore(%arg19 : memref<!tpu.dma_semaphore, #tpu.memory_space<semaphore_mem>>)
        } else {
        }
        "tpu.region"() ({
          %run_scoped3A = tpu.sem_alloc : memref<!tpu.dma_semaphore, #tpu.memory_space<semaphore_mem>>
          %dma_start3A_85 = arith.constant 0 : i32
          %dma_start3A_86 = arith.constant 0 : i32
          %dma_start3A_87 = tpu.memref_slice %arg13[%dma_start3A_85, %dma_start3A_86] : memref<10000x128xf32, #tpu.memory_space<vmem_shared>> -> memref<10000x128xf32, #tpu.memory_space<vmem_shared>>
          tpu.enqueue_indirect_dma source(%arg10 : memref<80x128xf32, #tpu.memory_space<vmem>>) target(%dma_start3A_87 : memref<10000x128xf32, #tpu.memory_space<vmem_shared>>) offsets(%arg7 : memref<80xi32, #tpu.memory_space<vmem>>) semaphore(%run_scoped3A : memref<!tpu.dma_semaphore, #tpu.memory_space<semaphore_mem>>) {add = true}
          %dma_wait3A_88 = arith.constant 0 : i32
          %dma_wait3A_89 = arith.constant 0 : i32
          %dma_wait3A_90 = tpu.memref_slice %arg13[%dma_wait3A_88, %dma_wait3A_89] : memref<10000x128xf32, #tpu.memory_space<vmem_shared>> -> memref<10000x128xf32, #tpu.memory_space<vmem_shared>>
          tpu.wait_indirect_dma semaphore(%run_scoped3A : memref<!tpu.dma_semaphore, #tpu.memory_space<semaphore_mem>>) src(%arg10 : memref<80x128xf32, #tpu.memory_space<vmem>>) dst(%dma_wait3A_90 : memref<10000x128xf32, #tpu.memory_space<vmem_shared>>)
          tpu.yield
        }) : () -> ()
      } else {
      }
      %add3A_57 = arith.constant 1 : i32
      %add3A_58 = arith.addi %add3A_49, %add3A_57 : i32
      %lt3A_59 = arith.constant 125 : i32
      %lt3A_60 = arith.cmpi slt, %add3A_58, %lt3A_59 : i32
      %convert_element_type3A_61 = arith.extui %lt3A_60 : i1 to i32
      %cond3A_62 = arith.constant 0 : i32
      %cond3A_63 = arith.cmpi ne, %convert_element_type3A_61, %cond3A_62 : i32
      scf.if %cond3A_63 {
        %dma_wait3A = tpu.memref_slice %arg3[%mul3A_2] : memref<640000xi32, #tpu.memory_space<hbm>> -> memref<80xi32, #tpu.memory_space<hbm>>
        %dma_wait3A_71 = tpu.memref_slice %arg3[%mul3A_2] : memref<640000xi32, #tpu.memory_space<hbm>> -> memref<80xi32, #tpu.memory_space<hbm>>
        tpu.wait_dma2 semaphore(%arg15 : memref<!tpu.dma_semaphore, #tpu.memory_space<semaphore_mem>>) src(%dma_wait3A_71 : memref<80xi32, #tpu.memory_space<hbm>>) dst(%arg8 : memref<80xi32, #tpu.memory_space<vmem>>)
        %dma_wait3A_72 = arith.constant 0 : i32
        %dma_wait3A_73 = arith.constant 0 : i32
        %dma_wait3A_74 = tpu.memref_slice %arg2[%dma_wait3A_72, %dma_wait3A_73] : memref<10000x128xf32, #tpu.memory_space<hbm>> -> memref<80x128xf32, #tpu.memory_space<hbm>>
        %dma_wait3A_75 = arith.constant 0 : i32
        %dma_wait3A_76 = arith.constant 0 : i32
        %dma_wait3A_77 = tpu.memref_slice %arg2[%dma_wait3A_75, %dma_wait3A_76] : memref<10000x128xf32, #tpu.memory_space<hbm>> -> memref<80x128xf32, #tpu.memory_space<hbm>>
        tpu.wait_dma2 semaphore(%arg18 : memref<!tpu.dma_semaphore, #tpu.memory_space<semaphore_mem>>) src(%dma_wait3A_77 : memref<80x128xf32, #tpu.memory_space<hbm>>) dst(%arg11 : memref<80x128xf32, #tpu.memory_space<vmem>>)
        %add3A_78 = arith.constant 2 : i32
        %add3A_79 = arith.addi %add3A_58, %add3A_78 : i32
        %lt3A_80 = arith.constant 125 : i32
        %lt3A_81 = arith.cmpi slt, %add3A_79, %lt3A_80 : i32
        %convert_element_type3A_82 = arith.extui %lt3A_81 : i1 to i32
        %cond3A_83 = arith.constant 0 : i32
        %cond3A_84 = arith.cmpi ne, %convert_element_type3A_82, %cond3A_83 : i32
        scf.if %cond3A_84 {
          %add3A_85 = arith.constant 2 : i32
          %add3A_86 = arith.addi %add3A_58, %add3A_85 : i32
          %add3A_87 = arith.constant 320000 : i32
          %add3A_88 = arith.addi %add3A_87, %mul3A_2 : i32
          %mul3A_89 = arith.constant 80 : i32
          %mul3A_90 = arith.muli %add3A_86, %mul3A_89 : i32
          %add3A_91 = arith.addi %add3A_88, %mul3A_90 : i32
          %dma_start3A_92 = tpu.memref_slice %arg3[%add3A_91] : memref<640000xi32, #tpu.memory_space<hbm>> -> memref<80xi32, #tpu.memory_space<hbm>>
          %dma_start3A_93 = tpu.memref_slice %arg3[%add3A_91] : memref<640000xi32, #tpu.memory_space<hbm>> -> memref<80xi32, #tpu.memory_space<hbm>>
          tpu.enqueue_dma source(%dma_start3A_93 : memref<80xi32, #tpu.memory_space<hbm>>) target(%arg7 : memref<80xi32, #tpu.memory_space<vmem>>) target_semaphore(%arg14 : memref<!tpu.dma_semaphore, #tpu.memory_space<semaphore_mem>>)
          %mul3A_94 = arith.constant 80 : i32
          %mul3A_95 = arith.muli %add3A_86, %mul3A_94 : i32
          %dma_start3A_96 = tpu.memref_slice %arg6[%mul3A_95] : memref<10000xi32, #tpu.memory_space<vmem>> -> memref<80xi32, #tpu.memory_space<vmem>>
          %dma_start3A_97 = arith.constant 0 : i32
          %dma_start3A_98 = arith.constant 0 : i32
          %dma_start3A_99 = tpu.memref_slice %arg2[%dma_start3A_97, %dma_start3A_98] : memref<10000x128xf32, #tpu.memory_space<hbm>> -> memref<10000x128xf32, #tpu.memory_space<hbm>>
          tpu.enqueue_indirect_dma source(%dma_start3A_99 : memref<10000x128xf32, #tpu.memory_space<hbm>>) target(%arg10 : memref<80x128xf32, #tpu.memory_space<vmem>>) offsets(%dma_start3A_96 : memref<80xi32, #tpu.memory_space<vmem>>) semaphore(%arg17 : memref<!tpu.dma_semaphore, #tpu.memory_space<semaphore_mem>>)
        } else {
        }
        "tpu.region"() ({
          %run_scoped3A = tpu.sem_alloc : memref<!tpu.dma_semaphore, #tpu.memory_space<semaphore_mem>>
          %dma_start3A_85 = arith.constant 0 : i32
          %dma_start3A_86 = arith.constant 0 : i32
          %dma_start3A_87 = tpu.memref_slice %arg13[%dma_start3A_85, %dma_start3A_86] : memref<10000x128xf32, #tpu.memory_space<vmem_shared>> -> memref<10000x128xf32, #tpu.memory_space<vmem_shared>>
          tpu.enqueue_indirect_dma source(%arg11 : memref<80x128xf32, #tpu.memory_space<vmem>>) target(%dma_start3A_87 : memref<10000x128xf32, #tpu.memory_space<vmem_shared>>) offsets(%arg8 : memref<80xi32, #tpu.memory_space<vmem>>) semaphore(%run_scoped3A : memref<!tpu.dma_semaphore, #tpu.memory_space<semaphore_mem>>) {add = true}
          %dma_wait3A_88 = arith.constant 0 : i32
          %dma_wait3A_89 = arith.constant 0 : i32
          %dma_wait3A_90 = tpu.memref_slice %arg13[%dma_wait3A_88, %dma_wait3A_89] : memref<10000x128xf32, #tpu.memory_space<vmem_shared>> -> memref<10000x128xf32, #tpu.memory_space<vmem_shared>>
          tpu.wait_indirect_dma semaphore(%run_scoped3A : memref<!tpu.dma_semaphore, #tpu.memory_space<semaphore_mem>>) src(%arg11 : memref<80x128xf32, #tpu.memory_space<vmem>>) dst(%dma_wait3A_90 : memref<10000x128xf32, #tpu.memory_space<vmem_shared>>)
          tpu.yield
        }) : () -> ()
      } else {
      }
      %add3A_64 = arith.constant 2 : i32
      %add3A_65 = arith.addi %add3A_49, %add3A_64 : i32
      %lt3A_66 = arith.constant 125 : i32
      %lt3A_67 = arith.cmpi slt, %add3A_65, %lt3A_66 : i32
      %convert_element_type3A_68 = arith.extui %lt3A_67 : i1 to i32
      %cond3A_69 = arith.constant 0 : i32
      %cond3A_70 = arith.cmpi ne, %convert_element_type3A_68, %cond3A_69 : i32
      scf.if %cond3A_70 {
        %dma_wait3A = tpu.memref_slice %arg3[%mul3A_2] : memref<640000xi32, #tpu.memory_space<hbm>> -> memref<80xi32, #tpu.memory_space<hbm>>
        %dma_wait3A_71 = tpu.memref_slice %arg3[%mul3A_2] : memref<640000xi32, #tpu.memory_space<hbm>> -> memref<80xi32, #tpu.memory_space<hbm>>
        tpu.wait_dma2 semaphore(%arg16 : memref<!tpu.dma_semaphore, #tpu.memory_space<semaphore_mem>>) src(%dma_wait3A_71 : memref<80xi32, #tpu.memory_space<hbm>>) dst(%arg9 : memref<80xi32, #tpu.memory_space<vmem>>)
        %dma_wait3A_72 = arith.constant 0 : i32
        %dma_wait3A_73 = arith.constant 0 : i32
        %dma_wait3A_74 = tpu.memref_slice %arg2[%dma_wait3A_72, %dma_wait3A_73] : memref<10000x128xf32, #tpu.memory_space<hbm>> -> memref<80x128xf32, #tpu.memory_space<hbm>>
        %dma_wait3A_75 = arith.constant 0 : i32
        %dma_wait3A_76 = arith.constant 0 : i32
        %dma_wait3A_77 = tpu.memref_slice %arg2[%dma_wait3A_75, %dma_wait3A_76] : memref<10000x128xf32, #tpu.memory_space<hbm>> -> memref<80x128xf32, #tpu.memory_space<hbm>>
        tpu.wait_dma2 semaphore(%arg19 : memref<!tpu.dma_semaphore, #tpu.memory_space<semaphore_mem>>) src(%dma_wait3A_77 : memref<80x128xf32, #tpu.memory_space<hbm>>) dst(%arg12 : memref<80x128xf32, #tpu.memory_space<vmem>>)
        %add3A_78 = arith.constant 2 : i32
        %add3A_79 = arith.addi %add3A_65, %add3A_78 : i32
        %lt3A_80 = arith.constant 125 : i32
        %lt3A_81 = arith.cmpi slt, %add3A_79, %lt3A_80 : i32
        %convert_element_type3A_82 = arith.extui %lt3A_81 : i1 to i32
        %cond3A_83 = arith.constant 0 : i32
        %cond3A_84 = arith.cmpi ne, %convert_element_type3A_82, %cond3A_83 : i32
        scf.if %cond3A_84 {
          %add3A_85 = arith.constant 2 : i32
          %add3A_86 = arith.addi %add3A_65, %add3A_85 : i32
          %add3A_87 = arith.constant 320000 : i32
          %add3A_88 = arith.addi %add3A_87, %mul3A_2 : i32
          %mul3A_89 = arith.constant 80 : i32
          %mul3A_90 = arith.muli %add3A_86, %mul3A_89 : i32
          %add3A_91 = arith.addi %add3A_88, %mul3A_90 : i32
          %dma_start3A_92 = tpu.memref_slice %arg3[%add3A_91] : memref<640000xi32, #tpu.memory_space<hbm>> -> memref<80xi32, #tpu.memory_space<hbm>>
          %dma_start3A_93 = tpu.memref_slice %arg3[%add3A_91] : memref<640000xi32, #tpu.memory_space<hbm>> -> memref<80xi32, #tpu.memory_space<hbm>>
          tpu.enqueue_dma source(%dma_start3A_93 : memref<80xi32, #tpu.memory_space<hbm>>) target(%arg8 : memref<80xi32, #tpu.memory_space<vmem>>) target_semaphore(%arg15 : memref<!tpu.dma_semaphore, #tpu.memory_space<semaphore_mem>>)
          %mul3A_94 = arith.constant 80 : i32
          %mul3A_95 = arith.muli %add3A_86, %mul3A_94 : i32
          %dma_start3A_96 = tpu.memref_slice %arg6[%mul3A_95] : memref<10000xi32, #tpu.memory_space<vmem>> -> memref<80xi32, #tpu.memory_space<vmem>>
          %dma_start3A_97 = arith.constant 0 : i32
          %dma_start3A_98 = arith.constant 0 : i32
          %dma_start3A_99 = tpu.memref_slice %arg2[%dma_start3A_97, %dma_start3A_98] : memref<10000x128xf32, #tpu.memory_space<hbm>> -> memref<10000x128xf32, #tpu.memory_space<hbm>>
          tpu.enqueue_indirect_dma source(%dma_start3A_99 : memref<10000x128xf32, #tpu.memory_space<hbm>>) target(%arg11 : memref<80x128xf32, #tpu.memory_space<vmem>>) offsets(%dma_start3A_96 : memref<80xi32, #tpu.memory_space<vmem>>) semaphore(%arg18 : memref<!tpu.dma_semaphore, #tpu.memory_space<semaphore_mem>>)
        } else {
        }
        "tpu.region"() ({
          %run_scoped3A = tpu.sem_alloc : memref<!tpu.dma_semaphore, #tpu.memory_space<semaphore_mem>>
          %dma_start3A_85 = arith.constant 0 : i32
          %dma_start3A_86 = arith.constant 0 : i32
          %dma_start3A_87 = tpu.memref_slice %arg13[%dma_start3A_85, %dma_start3A_86] : memref<10000x128xf32, #tpu.memory_space<vmem_shared>> -> memref<10000x128xf32, #tpu.memory_space<vmem_shared>>
          tpu.enqueue_indirect_dma source(%arg12 : memref<80x128xf32, #tpu.memory_space<vmem>>) target(%dma_start3A_87 : memref<10000x128xf32, #tpu.memory_space<vmem_shared>>) offsets(%arg9 : memref<80xi32, #tpu.memory_space<vmem>>) semaphore(%run_scoped3A : memref<!tpu.dma_semaphore, #tpu.memory_space<semaphore_mem>>) {add = true}
          %dma_wait3A_88 = arith.constant 0 : i32
          %dma_wait3A_89 = arith.constant 0 : i32
          %dma_wait3A_90 = tpu.memref_slice %arg13[%dma_wait3A_88, %dma_wait3A_89] : memref<10000x128xf32, #tpu.memory_space<vmem_shared>> -> memref<10000x128xf32, #tpu.memory_space<vmem_shared>>
          tpu.wait_indirect_dma semaphore(%run_scoped3A : memref<!tpu.dma_semaphore, #tpu.memory_space<semaphore_mem>>) src(%arg12 : memref<80x128xf32, #tpu.memory_space<vmem>>) dst(%dma_wait3A_90 : memref<10000x128xf32, #tpu.memory_space<vmem_shared>>)
          tpu.yield
        }) : () -> ()
      } else {
      }
    }
    %scan3A_33 = arith.constant 42 : i32
    %barrier3A_34 = arith.constant 0 : index
    tpu.barrier barrier_id(%barrier3A_34)
    %lt3A_35 = arith.constant 15 : i32
    %lt3A_36 = arith.cmpi slt, %arg1, %lt3A_35 : i32
    %convert_element_type3A_37 = arith.extui %lt3A_36 : i1 to i32
    %cond3A_38 = arith.constant 0 : i32
    %cond3A_39 = arith.cmpi ne, %convert_element_type3A_37, %cond3A_38 : i32
    scf.if %cond3A_39 {
      %mul3A_45 = arith.constant 624 : i32
      %mul3A_46 = arith.muli %arg1, %mul3A_45 : i32
      %mul3A_47 = arith.constant 624 : i32
      %mul3A_48 = arith.muli %arg1, %mul3A_47 : i32
      "tpu.region"() ({
        %run_scoped3A = tpu.sem_alloc : memref<!tpu.dma_semaphore, #tpu.memory_space<semaphore_mem>>
        %dma_start3A_49 = arith.constant 0 : i32
        %dma_start3A_50 = tpu.memref_slice %arg5[%arg0, %mul3A_48, %dma_start3A_49] : memref<2x10000x128xf32, #tpu.memory_space<hbm>> -> memref<1x624x128xf32, #tpu.memory_space<hbm>>
        %dma_start3A_51 = tpu.memref_squeeze %dma_start3A_50 : memref<1x624x128xf32, #tpu.memory_space<hbm>> -> memref<624x128xf32, #tpu.memory_space<hbm>>
        %dma_start3A_52 = arith.constant 0 : i32
        %dma_start3A_53 = tpu.memref_slice %arg13[%mul3A_46, %dma_start3A_52] : memref<10000x128xf32, #tpu.memory_space<vmem_shared>> -> memref<624x128xf32, #tpu.memory_space<vmem_shared>>
        tpu.enqueue_dma source(%dma_start3A_53 : memref<624x128xf32, #tpu.memory_space<vmem_shared>>) target(%dma_start3A_51 : memref<624x128xf32, #tpu.memory_space<hbm>>) target_semaphore(%run_scoped3A : memref<!tpu.dma_semaphore, #tpu.memory_space<semaphore_mem>>)
        %dma_wait3A = arith.constant 0 : i32
        %dma_wait3A_54 = tpu.memref_slice %arg5[%arg0, %mul3A_48, %dma_wait3A] : memref<2x10000x128xf32, #tpu.memory_space<hbm>> -> memref<1x624x128xf32, #tpu.memory_space<hbm>>
        %dma_wait3A_55 = tpu.memref_squeeze %dma_wait3A_54 : memref<1x624x128xf32, #tpu.memory_space<hbm>> -> memref<624x128xf32, #tpu.memory_space<hbm>>
        %dma_wait3A_56 = arith.constant 0 : i32
        %dma_wait3A_57 = tpu.memref_slice %arg13[%mul3A_46, %dma_wait3A_56] : memref<10000x128xf32, #tpu.memory_space<vmem_shared>> -> memref<624x128xf32, #tpu.memory_space<vmem_shared>>
        tpu.wait_dma2 semaphore(%run_scoped3A : memref<!tpu.dma_semaphore, #tpu.memory_space<semaphore_mem>>) src(%dma_wait3A_57 : memref<624x128xf32, #tpu.memory_space<vmem_shared>>) dst(%dma_wait3A_55 : memref<624x128xf32, #tpu.memory_space<hbm>>)
        tpu.yield
      }) : () -> ()
    } else {
    }
    %eq3A_40 = arith.constant 15 : i32
    %eq3A_41 = arith.cmpi eq, %arg1, %eq3A_40 : i32
    %convert_element_type3A_42 = arith.extui %eq3A_41 : i1 to i32
    %cond3A_43 = arith.constant 0 : i32
    %cond3A_44 = arith.cmpi ne, %convert_element_type3A_42, %cond3A_43 : i32
    scf.if %cond3A_44 {
      "tpu.region"() ({
        %run_scoped3A = tpu.sem_alloc : memref<!tpu.dma_semaphore, #tpu.memory_space<semaphore_mem>>
        %dma_start3A_45 = arith.constant 9360 : i32
        %dma_start3A_46 = arith.constant 0 : i32
        %dma_start3A_47 = tpu.memref_slice %arg5[%arg0, %dma_start3A_45, %dma_start3A_46] : memref<2x10000x128xf32, #tpu.memory_space<hbm>> -> memref<1x640x128xf32, #tpu.memory_space<hbm>>
        %dma_start3A_48 = tpu.memref_squeeze %dma_start3A_47 : memref<1x640x128xf32, #tpu.memory_space<hbm>> -> memref<640x128xf32, #tpu.memory_space<hbm>>
        %dma_start3A_49 = arith.constant 9360 : i32
        %dma_start3A_50 = arith.constant 0 : i32
        %dma_start3A_51 = tpu.memref_slice %arg13[%dma_start3A_49, %dma_start3A_50] : memref<10000x128xf32, #tpu.memory_space<vmem_shared>> -> memref<640x128xf32, #tpu.memory_space<vmem_shared>>
        tpu.enqueue_dma source(%dma_start3A_51 : memref<640x128xf32, #tpu.memory_space<vmem_shared>>) target(%dma_start3A_48 : memref<640x128xf32, #tpu.memory_space<hbm>>) target_semaphore(%run_scoped3A : memref<!tpu.dma_semaphore, #tpu.memory_space<semaphore_mem>>)
        %dma_wait3A = arith.constant 9360 : i32
        %dma_wait3A_52 = arith.constant 0 : i32
        %dma_wait3A_53 = tpu.memref_slice %arg5[%arg0, %dma_wait3A, %dma_wait3A_52] : memref<2x10000x128xf32, #tpu.memory_space<hbm>> -> memref<1x640x128xf32, #tpu.memory_space<hbm>>
        %dma_wait3A_54 = tpu.memref_squeeze %dma_wait3A_53 : memref<1x640x128xf32, #tpu.memory_space<hbm>> -> memref<640x128xf32, #tpu.memory_space<hbm>>
        %dma_wait3A_55 = arith.constant 9360 : i32
        %dma_wait3A_56 = arith.constant 0 : i32
        %dma_wait3A_57 = tpu.memref_slice %arg13[%dma_wait3A_55, %dma_wait3A_56] : memref<10000x128xf32, #tpu.memory_space<vmem_shared>> -> memref<640x128xf32, #tpu.memory_space<vmem_shared>>
        tpu.wait_dma2 semaphore(%run_scoped3A : memref<!tpu.dma_semaphore, #tpu.memory_space<semaphore_mem>>) src(%dma_wait3A_57 : memref<640x128xf32, #tpu.memory_space<vmem_shared>>) dst(%dma_wait3A_54 : memref<640x128xf32, #tpu.memory_space<hbm>>)
        tpu.yield
      }) : () -> ()
    } else {
    }
    return
  }
}

module attributes {stable_mosaic.version = 14 : i64} {
  func.func @body(%arg0: i32, %arg1: memref<1xf32, #tpu.memory_space<smem>>, %arg2: memref<2000x128xf32, #tpu.memory_space<vmem>>, %arg3: memref<1x2000x128xf32, #tpu.memory_space<vmem>>, %arg4: memref<1x2000x128xf32, #tpu.memory_space<vmem>>, %arg5: memref<128x64xf32, #tpu.memory_space<vmem>>, %arg6: memref<1x64xf32, #tpu.memory_space<vmem>>, %arg7: memref<64x64xf32, #tpu.memory_space<vmem>>, %arg8: memref<1x64xf32, #tpu.memory_space<vmem>>, %arg9: memref<2000x128xf32, #tpu.memory_space<vmem>>) attributes {dimension_semantics = [#tpu.dimension_semantics<arbitrary>], iteration_bounds = array<i64: 5>, scalar_prefetch = 0 : i64, scratch_operands = 0 : i64, tpu.core_type = #tpu.core_type<tc>, window_params = [{transform_indices = @transform_0, window_bounds = array<i64: 1>}, {transform_indices = @transform_1, window_bounds = array<i64: 2000, 128>}, {transform_indices = @transform_2, window_bounds = array<i64: 1, 2000, 128>}, {transform_indices = @transform_3, window_bounds = array<i64: 1, 2000, 128>}, {pipeline_mode = #tpu.pipeline_mode<synchronous>, transform_indices = @transform_4, window_bounds = array<i64: 128, 64>}, {pipeline_mode = #tpu.pipeline_mode<synchronous>, transform_indices = @transform_5, window_bounds = array<i64: 1, 64>}, {pipeline_mode = #tpu.pipeline_mode<synchronous>, transform_indices = @transform_6, window_bounds = array<i64: 64, 64>}, {pipeline_mode = #tpu.pipeline_mode<synchronous>, transform_indices = @transform_7, window_bounds = array<i64: 1, 64>}, {transform_indices = @transform_8, window_bounds = array<i64: 2000, 128>}]} {
    %get3A = arith.constant 0 : index
    %get3A_0 = memref.load %arg1[%get3A] : memref<1xf32, #tpu.memory_space<smem>>
    %add3A = arith.constant 1.000000e+00 : f32
    %add3A_1 = arith.addf %add3A, %get3A_0 : f32
    %get3A_2 = arith.constant 0 : index
    %get3A_3 = arith.constant 0 : index
    %get3A_4 = vector.load %arg2[%get3A_2, %get3A_3] : memref<2000x128xf32, #tpu.memory_space<vmem>>, vector<2000x128xf32>
    %mul3A = vector.broadcast %add3A_1 : f32 to vector<2000x128xf32>
    %mul3A_5 = arith.mulf %mul3A, %get3A_4 : vector<2000x128xf32>
    %get3A_6 = arith.constant 0 : index
    %get3A_7 = arith.constant 0 : index
    %get3A_8 = arith.constant 0 : index
    %get3A_9 = vector.load %arg3[%get3A_6, %get3A_7, %get3A_8] : memref<1x2000x128xf32, #tpu.memory_space<vmem>>, vector<1x2000x128xf32>
    %get3A_10 = vector.shape_cast %get3A_9 : vector<1x2000x128xf32> to vector<2000x128xf32>
    %add3A_11 = arith.addf %mul3A_5, %get3A_10 : vector<2000x128xf32>
    %get3A_12 = arith.constant 0 : index
    %get3A_13 = arith.constant 0 : index
    %get3A_14 = arith.constant 0 : index
    %get3A_15 = vector.load %arg4[%get3A_12, %get3A_13, %get3A_14] : memref<1x2000x128xf32, #tpu.memory_space<vmem>>, vector<1x2000x128xf32>
    %get3A_16 = vector.shape_cast %get3A_15 : vector<1x2000x128xf32> to vector<2000x128xf32>
    %add3A_17 = arith.addf %add3A_11, %get3A_16 : vector<2000x128xf32>
    %get3A_18 = arith.constant 0 : index
    %get3A_19 = arith.constant 0 : index
    %get3A_20 = vector.load %arg5[%get3A_18, %get3A_19] : memref<128x64xf32, #tpu.memory_space<vmem>>, vector<128x64xf32>
    %dot_general3A = arith.constant dense<0.000000e+00> : vector<2000x64xf32>
    %dot_general3A_21 = tpu.matmul %add3A_17, %get3A_20, %dot_general3A {dimension_numbers = #tpu.dot_dimension_numbers<[1], [0], [0], [1], [0, 0, 1, 1], [], []>, precision = #tpu.contract_precision<fp32>, transpose_lhs_hint = false} : vector<2000x128xf32>, vector<128x64xf32>, vector<2000x64xf32> -> vector<2000x64xf32>
    %get3A_22 = arith.constant 0 : index
    %get3A_23 = arith.constant 0 : index
    %get3A_24 = vector.load %arg6[%get3A_22, %get3A_23] : memref<1x64xf32, #tpu.memory_space<vmem>>, vector<1x64xf32>
    %add3A_25 = vector.broadcast %get3A_24 : vector<1x64xf32> to vector<2000x64xf32>
    %add3A_26 = arith.addf %dot_general3A_21, %add3A_25 : vector<2000x64xf32>
    %max3A = arith.constant 0.000000e+00 : f32
    %max3A_27 = vector.broadcast %max3A : f32 to vector<2000x64xf32>
    %max3A_28 = arith.maximumf %add3A_26, %max3A_27 : vector<2000x64xf32>
    %get3A_29 = arith.constant 0 : index
    %get3A_30 = arith.constant 0 : index
    %get3A_31 = vector.load %arg7[%get3A_29, %get3A_30] : memref<64x64xf32, #tpu.memory_space<vmem>>, vector<64x64xf32>
    %dot_general3A_32 = arith.constant dense<0.000000e+00> : vector<2000x64xf32>
    %dot_general3A_33 = tpu.matmul %max3A_28, %get3A_31, %dot_general3A_32 {dimension_numbers = #tpu.dot_dimension_numbers<[1], [0], [0], [1], [0, 0, 1, 1], [], []>, precision = #tpu.contract_precision<fp32>, transpose_lhs_hint = false} : vector<2000x64xf32>, vector<64x64xf32>, vector<2000x64xf32> -> vector<2000x64xf32>
    %get3A_34 = arith.constant 0 : index
    %get3A_35 = arith.constant 0 : index
    %get3A_36 = vector.load %arg8[%get3A_34, %get3A_35] : memref<1x64xf32, #tpu.memory_space<vmem>>, vector<1x64xf32>
    %add3A_37 = vector.broadcast %get3A_36 : vector<1x64xf32> to vector<2000x64xf32>
    %add3A_38 = arith.addf %dot_general3A_33, %add3A_37 : vector<2000x64xf32>
    %max3A_39 = arith.constant 0.000000e+00 : f32
    %max3A_40 = vector.broadcast %max3A_39 : f32 to vector<2000x64xf32>
    %max3A_41 = arith.maximumf %add3A_38, %max3A_40 : vector<2000x64xf32>
    %broadcast_in_dim3A = arith.constant 0.000000e+00 : f32
    %broadcast_in_dim3A_42 = vector.broadcast %broadcast_in_dim3A : f32 to vector<2000x64xf32>
    %concatenate3A = tpu.concatenate %max3A_41, %broadcast_in_dim3A_42 in 1 : vector<2000x64xf32>, vector<2000x64xf32> -> vector<2000x128xf32>
    %swap3A = arith.constant 0 : index
    %swap3A_43 = arith.constant 0 : index
    %swap3A_44 = vector.load %arg9[%swap3A, %swap3A_43] : memref<2000x128xf32, #tpu.memory_space<vmem>>, vector<2000x128xf32>
    tpu.vector_store %arg9[%swap3A, %swap3A_43], %concatenate3A {strides = array<i32>} : memref<2000x128xf32, #tpu.memory_space<vmem>>, vector<2000x128xf32>,
    return
  }
  func.func @transform_0(%arg0: i32) -> i32 {
    %c0_i32 = arith.constant 0 : i32
    %c0_i32_0 = arith.constant 0 : i32
    return %c0_i32 : i32
  }
  func.func @transform_1(%arg0: i32) -> (i32, i32) {
    %c0_i32 = arith.constant 0 : i32
    %c0_i32_0 = arith.constant 0 : i32
    return %arg0, %c0_i32 : i32, i32
  }
  func.func @transform_2(%arg0: i32) -> (i32, i32, i32) {
    %c0_i32 = arith.constant 0 : i32
    %c0_i32_0 = arith.constant 0 : i32
    %c0_i32_1 = arith.constant 0 : i32
    return %c0_i32, %arg0, %c0_i32_0 : i32, i32, i32
  }
  func.func @transform_3(%arg0: i32) -> (i32, i32, i32) {
    %c1_i32 = arith.constant 1 : i32
    %c0_i32 = arith.constant 0 : i32
    %c0_i32_0 = arith.constant 0 : i32
    return %c1_i32, %arg0, %c0_i32 : i32, i32, i32
  }
  func.func @transform_4(%arg0: i32) -> (i32, i32) {
    %c0_i32 = arith.constant 0 : i32
    %c0_i32_0 = arith.constant 0 : i32
    %c0_i32_1 = arith.constant 0 : i32
    return %c0_i32, %c0_i32_0 : i32, i32
  }
  func.func @transform_5(%arg0: i32) -> (i32, i32) {
    %c0_i32 = arith.constant 0 : i32
    %c0_i32_0 = arith.constant 0 : i32
    %c0_i32_1 = arith.constant 0 : i32
    return %c0_i32, %c0_i32_0 : i32, i32
  }
  func.func @transform_6(%arg0: i32) -> (i32, i32) {
    %c0_i32 = arith.constant 0 : i32
    %c0_i32_0 = arith.constant 0 : i32
    %c0_i32_1 = arith.constant 0 : i32
    return %c0_i32, %c0_i32_0 : i32, i32
  }
  func.func @transform_7(%arg0: i32) -> (i32, i32) {
    %c0_i32 = arith.constant 0 : i32
    %c0_i32_0 = arith.constant 0 : i32
    %c0_i32_1 = arith.constant 0 : i32
    return %c0_i32, %c0_i32_0 : i32, i32
  }
  func.func @transform_8(%arg0: i32) -> (i32, i32) {
    %c0_i32 = arith.constant 0 : i32
    %c0_i32_0 = arith.constant 0 : i32
    return %arg0, %c0_i32 : i32, i32
  }
}

module attributes {stable_mosaic.version = 14 : i64} {
  func.func @body(%arg0: i32, %arg1: memref<1xf32, #tpu.memory_space<smem>>, %arg2: memref<2000x128xf32, #tpu.memory_space<vmem>>, %arg3: memref<1x2000x128xf32, #tpu.memory_space<vmem>>, %arg4: memref<1x2000x128xf32, #tpu.memory_space<vmem>>, %arg5: memref<64x64xf32, #tpu.memory_space<vmem>>, %arg6: memref<1x64xf32, #tpu.memory_space<vmem>>, %arg7: memref<64x128xf32, #tpu.memory_space<vmem>>, %arg8: memref<1x128xf32, #tpu.memory_space<vmem>>, %arg9: memref<2000x128xf32, #tpu.memory_space<vmem>>) attributes {dimension_semantics = [#tpu.dimension_semantics<arbitrary>], iteration_bounds = array<i64: 5>, scalar_prefetch = 0 : i64, scratch_operands = 0 : i64, tpu.core_type = #tpu.core_type<tc>, window_params = [{transform_indices = @transform_0, window_bounds = array<i64: 1>}, {transform_indices = @transform_1, window_bounds = array<i64: 2000, 128>}, {transform_indices = @transform_2, window_bounds = array<i64: 1, 2000, 128>}, {transform_indices = @transform_3, window_bounds = array<i64: 1, 2000, 128>}, {pipeline_mode = #tpu.pipeline_mode<synchronous>, transform_indices = @transform_4, window_bounds = array<i64: 64, 64>}, {pipeline_mode = #tpu.pipeline_mode<synchronous>, transform_indices = @transform_5, window_bounds = array<i64: 1, 64>}, {pipeline_mode = #tpu.pipeline_mode<synchronous>, transform_indices = @transform_6, window_bounds = array<i64: 64, 128>}, {pipeline_mode = #tpu.pipeline_mode<synchronous>, transform_indices = @transform_7, window_bounds = array<i64: 1, 128>}, {transform_indices = @transform_8, window_bounds = array<i64: 2000, 128>}]} {
    %get3A = arith.constant 0 : index
    %get3A_0 = memref.load %arg1[%get3A] : memref<1xf32, #tpu.memory_space<smem>>
    %add3A = arith.constant 1.000000e+00 : f32
    %add3A_1 = arith.addf %add3A, %get3A_0 : f32
    %get3A_2 = arith.constant 0 : index
    %get3A_3 = arith.constant 0 : index
    %get3A_4 = vector.load %arg2[%get3A_2, %get3A_3] : memref<2000x128xf32, #tpu.memory_space<vmem>>, vector<2000x128xf32>
    %mul3A = vector.broadcast %add3A_1 : f32 to vector<2000x128xf32>
    %mul3A_5 = arith.mulf %mul3A, %get3A_4 : vector<2000x128xf32>
    %get3A_6 = arith.constant 0 : index
    %get3A_7 = arith.constant 0 : index
    %get3A_8 = arith.constant 0 : index
    %get3A_9 = vector.load %arg3[%get3A_6, %get3A_7, %get3A_8] : memref<1x2000x128xf32, #tpu.memory_space<vmem>>, vector<1x2000x128xf32>
    %get3A_10 = vector.shape_cast %get3A_9 : vector<1x2000x128xf32> to vector<2000x128xf32>
    %add3A_11 = arith.addf %mul3A_5, %get3A_10 : vector<2000x128xf32>
    %get3A_12 = arith.constant 0 : index
    %get3A_13 = arith.constant 0 : index
    %get3A_14 = arith.constant 0 : index
    %get3A_15 = vector.load %arg4[%get3A_12, %get3A_13, %get3A_14] : memref<1x2000x128xf32, #tpu.memory_space<vmem>>, vector<1x2000x128xf32>
    %get3A_16 = vector.shape_cast %get3A_15 : vector<1x2000x128xf32> to vector<2000x128xf32>
    %add3A_17 = arith.addf %add3A_11, %get3A_16 : vector<2000x128xf32>
    %slice3A = vector.extract_strided_slice %add3A_17 {offsets = [0, 0], sizes = [2000, 64], strides = [1, 1]} : vector<2000x128xf32> to vector<2000x64xf32>
    %get3A_18 = arith.constant 0 : index
    %get3A_19 = arith.constant 0 : index
    %get3A_20 = vector.load %arg5[%get3A_18, %get3A_19] : memref<64x64xf32, #tpu.memory_space<vmem>>, vector<64x64xf32>
    %dot_general3A = arith.constant dense<0.000000e+00> : vector<2000x64xf32>
    %dot_general3A_21 = tpu.matmul %slice3A, %get3A_20, %dot_general3A {dimension_numbers = #tpu.dot_dimension_numbers<[1], [0], [0], [1], [0, 0, 1, 1], [], []>, precision = #tpu.contract_precision<fp32>, transpose_lhs_hint = false} : vector<2000x64xf32>, vector<64x64xf32>, vector<2000x64xf32> -> vector<2000x64xf32>
    %get3A_22 = arith.constant 0 : index
    %get3A_23 = arith.constant 0 : index
    %get3A_24 = vector.load %arg6[%get3A_22, %get3A_23] : memref<1x64xf32, #tpu.memory_space<vmem>>, vector<1x64xf32>
    %add3A_25 = vector.broadcast %get3A_24 : vector<1x64xf32> to vector<2000x64xf32>
    %add3A_26 = arith.addf %dot_general3A_21, %add3A_25 : vector<2000x64xf32>
    %max3A = arith.constant 0.000000e+00 : f32
    %max3A_27 = vector.broadcast %max3A : f32 to vector<2000x64xf32>
    %max3A_28 = arith.maximumf %add3A_26, %max3A_27 : vector<2000x64xf32>
    %get3A_29 = arith.constant 0 : index
    %get3A_30 = arith.constant 0 : index
    %get3A_31 = vector.load %arg7[%get3A_29, %get3A_30] : memref<64x128xf32, #tpu.memory_space<vmem>>, vector<64x128xf32>
    %dot_general3A_32 = arith.constant dense<0.000000e+00> : vector<2000x128xf32>
    %dot_general3A_33 = tpu.matmul %max3A_28, %get3A_31, %dot_general3A_32 {dimension_numbers = #tpu.dot_dimension_numbers<[1], [0], [0], [1], [0, 0, 1, 1], [], []>, precision = #tpu.contract_precision<fp32>, transpose_lhs_hint = false} : vector<2000x64xf32>, vector<64x128xf32>, vector<2000x128xf32> -> vector<2000x128xf32>
    %get3A_34 = arith.constant 0 : index
    %get3A_35 = arith.constant 0 : index
    %get3A_36 = vector.load %arg8[%get3A_34, %get3A_35] : memref<1x128xf32, #tpu.memory_space<vmem>>, vector<1x128xf32>
    %add3A_37 = vector.broadcast %get3A_36 : vector<1x128xf32> to vector<2000x128xf32>
    %add3A_38 = arith.addf %dot_general3A_33, %add3A_37 : vector<2000x128xf32>
    %reduce_max3A = arith.constant dense<0xFF800000> : vector<2000xf32>
    %reduce_max3A_39 = vector.multi_reduction <maximumf>, %add3A_38, %reduce_max3A [1] : vector<2000x128xf32> to vector<2000xf32>
    %broadcast_in_dim3A = vector.shape_cast %reduce_max3A_39 : vector<2000xf32> to vector<2000x1xf32>
    %sub3A = vector.broadcast %broadcast_in_dim3A : vector<2000x1xf32> to vector<2000x128xf32>
    %sub3A_40 = arith.subf %add3A_38, %sub3A : vector<2000x128xf32>
    %exp3A = math.exp %sub3A_40 : vector<2000x128xf32>
    %reduce_sum3A = arith.constant dense<0.000000e+00> : vector<2000xf32>
    %reduce_sum3A_41 = vector.multi_reduction <add>, %exp3A, %reduce_sum3A [1] : vector<2000x128xf32> to vector<2000xf32>
    %broadcast_in_dim3A_42 = vector.shape_cast %reduce_sum3A_41 : vector<2000xf32> to vector<2000x1xf32>
    %log3A = math.log %broadcast_in_dim3A_42 : vector<2000x1xf32>
    %sub3A_43 = vector.broadcast %log3A : vector<2000x1xf32> to vector<2000x128xf32>
    %sub3A_44 = arith.subf %sub3A_40, %sub3A_43 : vector<2000x128xf32>
    %swap3A = arith.constant 0 : index
    %swap3A_45 = arith.constant 0 : index
    %swap3A_46 = vector.load %arg9[%swap3A, %swap3A_45] : memref<2000x128xf32, #tpu.memory_space<vmem>>, vector<2000x128xf32>
    tpu.vector_store %arg9[%swap3A, %swap3A_45], %sub3A_44 {strides = array<i32>} : memref<2000x128xf32, #tpu.memory_space<vmem>>, vector<2000x128xf32>,
    return
  }
  func.func @transform_0(%arg0: i32) -> i32 {
    %c0_i32 = arith.constant 0 : i32
    %c0_i32_0 = arith.constant 0 : i32
    return %c0_i32 : i32
  }
  func.func @transform_1(%arg0: i32) -> (i32, i32) {
    %c0_i32 = arith.constant 0 : i32
    %c0_i32_0 = arith.constant 0 : i32
    return %arg0, %c0_i32 : i32, i32
  }
  func.func @transform_2(%arg0: i32) -> (i32, i32, i32) {
    %c0_i32 = arith.constant 0 : i32
    %c0_i32_0 = arith.constant 0 : i32
    %c0_i32_1 = arith.constant 0 : i32
    return %c0_i32, %arg0, %c0_i32_0 : i32, i32, i32
  }
  func.func @transform_3(%arg0: i32) -> (i32, i32, i32) {
    %c1_i32 = arith.constant 1 : i32
    %c0_i32 = arith.constant 0 : i32
    %c0_i32_0 = arith.constant 0 : i32
    return %c1_i32, %arg0, %c0_i32 : i32, i32, i32
  }
  func.func @transform_4(%arg0: i32) -> (i32, i32) {
    %c0_i32 = arith.constant 0 : i32
    %c0_i32_0 = arith.constant 0 : i32
    %c0_i32_1 = arith.constant 0 : i32
    return %c0_i32, %c0_i32_0 : i32, i32
  }
  func.func @transform_5(%arg0: i32) -> (i32, i32) {
    %c0_i32 = arith.constant 0 : i32
    %c0_i32_0 = arith.constant 0 : i32
    %c0_i32_1 = arith.constant 0 : i32
    return %c0_i32, %c0_i32_0 : i32, i32
  }
  func.func @transform_6(%arg0: i32) -> (i32, i32) {
    %c0_i32 = arith.constant 0 : i32
    %c0_i32_0 = arith.constant 0 : i32
    %c0_i32_1 = arith.constant 0 : i32
    return %c0_i32, %c0_i32_0 : i32, i32
  }
  func.func @transform_7(%arg0: i32) -> (i32, i32) {
    %c0_i32 = arith.constant 0 : i32
    %c0_i32_0 = arith.constant 0 : i32
    %c0_i32_1 = arith.constant 0 : i32
    return %c0_i32, %c0_i32_0 : i32, i32
  }
  func.func @transform_8(%arg0: i32) -> (i32, i32) {
    %c0_i32 = arith.constant 0 : i32
    %c0_i32_0 = arith.constant 0 : i32
    return %arg0, %c0_i32 : i32, i32
  }
}

</mosaic_0001>

<sc_bundles>
// kernel: kernel.6.cloned.1.call-start
scs
__scs_entry_jumppad:
0x0: {  	(pc) =	sbr.rel $0x88, $3  }
0x1: {  	(tag) =	ssettag $0x0;
	lr =	simm.s32 $0x1  }
0x2: {  	[smem:$0x3F95] =	sst lr;
	_ =	strace $0xD0000000  }
0x3: {  	_ = 	snop  }
0x4: {  	_ = 	snop  }
0x5: {  	_ = 	snop  }
0x6: {  	_ = 	snop  }
0x7: {  	_ = 	snop  }
__scs_overlays_trampoline_lowered:
0x8: {  	[smem:$0x3FA4] =	sst s0  }
0x9: {  	[smem:$0x3FA5] =	sst s1  }
0xa: {  	[smem:$0x3FA6] =	sst s2  }
0xb: {  	[smem:$0x3FA7] =	sst s3  }
0xc: {  	[smem:$0x3FA8] =	sst s4  }
0xd: {  	[smem:$0x3FA9] =	sst s5  }
0xe: {  	[smem:$0x3FAA] =	sst s6  }
0xf: {  	[smem:$0x3FAB] =	sst s7  }
0x10: {  	[smem:$0x3FAC] =	sst s8  }
0x11: {  	[smem:$0x3FAD] =	sst s9;
	s0 =	simm.s32 @!p0 $0x0  }
0x12: {  	s1 =	sld [smem:$0x3F93];
	s0 =	simm.s32 @p0 $0x1  }
0x13: {  	[smem:$0x3FAE] =	sst s0;
	s0 =	simm.s32 @!p1 $0x0  }
0x14: {  	s2 =	sld [smem:$0x3F92];
	s0 =	simm.s32 @p1 $0x1  }
0x15: {  	[smem:$0x3FAF] =	sst s0;
	s0 =	simm.s32 @!p2 $0x0  }
0x16: {  	s3 =	sld [smem:$0x3FDB];
	s0 =	simm.s32 @p2 $0x1  }
0x17: {  	s4 =	simm.s32 $0x1BF5;
	[smem:$0x3FB1] =	sst s0  }
0x18: {  	s0 =	sld [smem:$0x3F94];
	_ =	swait.ge [sflag:s4], $0x0  }
0x19: {  	s7 =	sld [smem:$0x3F95]  }
0x1a: {  	s8 =	sadd.s32 $0xFFFFE003, lr  }
0x1b: {  	s9 =	sadd.s32 $0xFFFFFEF7, lr;
	s5 =	simm.s32 $0xFFFFFFFF;
	p2 =	slt.u32 s8, $0xFFFFF086  }
0x1c: {  	p1 =	slt.u32 s9, $0xF7A;
	s5 =	simm.s32 @!p2 $0x0  }
0x1d: {  	s5 =	simm.s32 @p1 $0x1;
	p0 =	seq.s32 s7, s2  }
0x1e: {  	s7 =	smul.u32 @!p0 $0xF7A, s2;
	p2 =	seq.s32 @!p0 s5, $0x0  }
0x1f: {  	s9 =	smul.u32 $0xF7A, s1;
	s8 =	simm.s32 @!p0 $0x1BF5;
	p2 =	por !p2, p0  }
0x20: {  	[sflag:s8] =	ssyncset.s32 @!p0 $0xFFFFF086;
	s6 =	sadd.s32 @!p0 s3, s7;
	s7 =	simm.s32 @!p0 $0x108  }
0x21: {  	s3 =	sadd.s32 s3, s9;
	s6 =	sadd.s32 @!p0 $0x88, s6;
	s7 =	simm.s32 @p2 $0x1082  }
0x22: {  	[simem:s7], [sflag:s8] =	dma.local @!p0 [hbm:s6], $0xF7A  }
0x23: {  	s9 =	sor.u32 $0xD0000000, s2;
	s6 =	simm.s32 $0x108;
	_ =	swait.ge @!p0 [sflag:s8], $0x0  }
0x24: {  	s3 =	sadd.s32 $0x88, s3;
	s6 =	simm.s32 @!p1 $0x1082;
	[sflag:s4] =	ssyncset.s32 $0xFFFFF086  }
0x25: {  	[simem:s6], [sflag:s4] =	dma.local [hbm:s3], $0xF7A  }
0x26: {  	[smem:$0x3F95] =	sst s1;
	(tag) =	ssettag s2;
	_ =	strace s9  }
0x27: {  	s1 =	sld [smem:$0x3FA5]  }
0x28: {  	s2 =	sld [smem:$0x3FA6]  }
0x29: {  	s4 =	sld [smem:$0x3FA8]  }
0x2a: {  	p0 =	seq.s32 s5, $0x0;
	s5 =	sld [smem:$0x3FA9]  }
0x2b: {  	s6 =	sld [smem:$0x3FAA]  }
0x2c: {  	s7 =	sld [smem:$0x3FAB]  }
0x2d: {  	s3 =	simm.s32 $0x108;
	s8 =	sld [smem:$0x3FAC]  }
0x2e: {  	s3 =	simm.s32 @!p0 $0x1082;
	s9 =	sld [smem:$0x3FAD]  }
0x2f: {  	lr =	sadd.s32 s0, s3;
	s0 =	sld [smem:$0x3FA4]  }
0x30: {  	s3 =	sld [smem:$0x3FA7]  }
0x31: {  	[smem:$0x3FB0] =	sst s10  }
0x32: {  	s10 =	sld [smem:$0x3FAE];
	_ =	sdelay $0x3  }
0x33: {  	p0 =	seq.s32 s10, $0x1;
	s10 =	sld [smem:$0x3FB0];
	_ =	sdelay $0x3  }
0x34: {  	[smem:$0x3FB0] =	sst s10  }
0x35: {  	s10 =	sld [smem:$0x3FAF];
	_ =	sdelay $0x3  }
0x36: {  	p1 =	seq.s32 s10, $0x1;
	s10 =	sld [smem:$0x3FB0];
	_ =	sdelay $0x3  }
0x37: {  	[smem:$0x3FB0] =	sst s10  }
0x38: {  	s10 =	sld [smem:$0x3FB1]  }
0x39: {  	_ = 	snop;
	(pc) =	sbr.ind lr, $3  }
0x3a: {  	_ = 	snop  }
0x3b: {  	_ = 	snop  }
0x3c: {  	p2 =	seq.s32 s10, $0x1;
	s10 =	sld [smem:$0x3FB0]  }
0x3d: {  	_ =	shalt  }
0x3e: {  	_ =	shalt  }
0x3f: {  	_ =	shalt  }
0x40: {  	_ =	shalt  }
0x41: {  	_ =	shalt  }
0x42: {  	_ =	shalt  }
0x43: {  	_ =	shalt  }
0x44: {  	_ =	shalt  }
0x45: {  	_ =	shalt  }
0x46: {  	_ =	shalt  }
0x47: {  	_ =	shalt  }
0x48: {  	_ =	shalt  }
0x49: {  	_ =	shalt  }
0x4a: {  	_ =	shalt  }
0x4b: {  	_ =	shalt  }
0x4c: {  	_ =	shalt  }
0x4d: {  	_ =	shalt  }
0x4e: {  	_ =	shalt  }
0x4f: {  	_ =	shalt  }
0x50: {  	_ =	shalt  }
0x51: {  	_ =	shalt  }
0x52: {  	_ =	shalt  }
0x53: {  	_ =	shalt  }
0x54: {  	_ =	shalt  }
0x55: {  	_ =	shalt  }
0x56: {  	_ =	shalt  }
0x57: {  	_ =	shalt  }
0x58: {  	_ =	shalt  }
0x59: {  	_ =	shalt  }
0x5a: {  	_ =	shalt  }
0x5b: {  	_ =	shalt  }
0x5c: {  	_ =	shalt  }
0x5d: {  	_ =	shalt  }
0x5e: {  	_ =	shalt  }
0x5f: {  	_ =	shalt  }
0x60: {  	_ =	shalt  }
0x61: {  	_ =	shalt  }
0x62: {  	_ =	shalt  }
0x63: {  	_ =	shalt  }
0x64: {  	_ =	shalt  }
0x65: {  	_ =	shalt  }
0x66: {  	_ =	shalt  }
0x67: {  	_ =	shalt  }
0x68: {  	_ =	shalt  }
0x69: {  	_ =	shalt  }
0x6a: {  	_ =	shalt  }
0x6b: {  	_ =	shalt  }
0x6c: {  	_ =	shalt  }
0x6d: {  	_ =	shalt  }
0x6e: {  	_ =	shalt  }
0x6f: {  	_ =	shalt  }
0x70: {  	_ =	shalt  }
0x71: {  	_ =	shalt  }
0x72: {  	_ =	shalt  }
0x73: {  	_ =	shalt  }
0x74: {  	_ =	shalt  }
0x75: {  	_ =	shalt  }
0x76: {  	_ =	shalt  }
0x77: {  	_ =	shalt  }
0x78: {  	_ =	shalt  }
0x79: {  	_ =	shalt  }
0x7a: {  	_ =	shalt  }
0x7b: {  	_ =	shalt  }
0x7c: {  	_ =	shalt  }
0x7d: {  	_ =	shalt  }
0x7e: {  	_ =	shalt  }
0x7f: {  	_ =	shalt  }
0x80: {  	_ =	shalt  }
0x81: {  	_ =	shalt  }
0x82: {  	_ =	shalt  }
0x83: {  	_ =	shalt  }
0x84: {  	_ =	shalt  }
0x85: {  	_ =	shalt  }
0x86: {  	_ =	shalt  }
0x87: {  	_ =	shalt  }
.Lfunc_end0:
.L_simem_size_0:
called_computation_lowered:
.L_overlay_start_0:
0x88: {  	s2 =	sld [smem:$0x3FD9]  }
0x89: {  	s3 =	sld [smem:$0x3FFE];
	_ =	sdelay $0x1  }
0x8a: {  	s1 =	srdreg.scid  }
0x8b: {  	s0 =	sand.u32 $0x1, s1  }
0x8c: {  	s17 =	sshll.u32 s0, $0xA;
	s2 =	sadd.s32 s3, s2  }
0x8d: {  	s2 =	sadd.s32 s2, s17  }
0x8e: {  	[smem:$0x3FBC] =	sst s2  }
0x8f: {  	_ = 	snop  }
0x90: {  	s2 =	sld [smem:$0x3FC9]  }
0x91: {  	s18 =	sld [smem:$0x3FD0];
	(tm) =	ssettm $0x1  }
0x92: {  	s4 =	sld [smem:$0x3FFB];
	_ =	sdelay $0x3  }
0x93: {  	_ =	strace s4  }
0x94: {  	s4 =	sld [smem:$0x3FFC];
	_ =	sdelay $0x3  }
0x95: {  	_ =	strace s4  }
0x96: {  	s4 =	sld [smem:$0x3FFD];
	_ =	sdelay $0x3  }
0x97: {  	_ =	strace s4  }
0x98: {  	_ =	strace $0x8FFFFFFF  }
0x99: {  	s19 =	sld [smem:$0x3FDB];
	_ =	sdelay $0x1  }
0x9a: {  	s5 =	simm.s32 $_scs_section_size  }
0x9b: {  	s6 =	simm.s32 $_size__tile_overlayer_lowered;
	s7 =	simm.s32 $_tile_overlayer_lowered  }
0x9c: {  	s22 =	simm.s32 $0x1BFF;
	s21 =	sshll.u32 s7, $0x1;
	s4 =	sadd.s32 s5, s19  }
0x9d: {  	s8 =	simm.s32 $0x0;
	s20 =	sshll.u32 s6, $0x1;
	s6 =	sadd.s32 s21, s4  }
0x9e: {  	[timem:s8], [sflag:s22] =	dma.local [hbm:s6], s20  }
0x9f: {  	_ =	swait.ge [sflag:s22], s20  }
0xa0: {  	s5 =	ssub.s32 $0x0, s20;
	[sflag:s22] =	ssyncset.done $0x0  }
0xa1: {  	[sflag:s22] =	ssyncadd.s32 s5;
	_ =	sdelay $0x1  }
0xa2: {  	s23 =	simm.s32 $0x1B8B  }
0xa3: {  	_ =	swait.ge [sflag:s23], $0x1  }
0xa4: {  	[sflag:s23] =	ssyncset.done $0x0  }
0xa5: {  	s25 =	simm.s32 $0x1B8E;
	s24 =	sld [smem:$0x3FFE];
	[sflag:s23] =	ssyncadd.s32 $0xFFFFFFFF  }
0xa6: {  	s26 =	simm.s32 $execute0_lowered;
	[smem:$0x3FD2] =	sst s25  }
0xa7: {  	s6 =	sshll.u32 s26, $0x1;
	_ =	strace $0x80000046;
	[dreg:$0x1] =	wrdreg $0xFFFFFFFF  }
0xa8: {  	s28 =	simm.s32 $_size_execute0_lowered;
	s4 =	sadd.s32 s4, s6;
	[dreg:$0x0] =	wrdreg $0x0  }
0xa9: {  	s6 =	sshll.u32 s28, $0x1;
	[dreg:$0x2] =	wrdreg s4  }
0xaa: {  	[dreg:$0x3] =	wrdreg s6  }
0xab: {  	[dreg:$0x4] =	wrdreg $0xC0  }
0xac: {  	_ =	task [dreg:s8], $0x5FFFF  }
0xad: {  	[dreg:$0x1] =	wrdreg $0xFFFFFFFF  }
0xae: {  	[dreg:$0x0] =	wrdreg $0x60  }
0xaf: {  	[dreg:$0x2] =	wrdreg s2  }
0xb0: {  	[dreg:$0x3] =	wrdreg s24  }
0xb1: {  	[dreg:$0x4] =	wrdreg s18  }
0xb2: {  	[dreg:$0x5] =	wrdreg $0xA1000  }
0xb3: {  	[dreg:$0x6] =	wrdreg $0x9  }
0xb4: {  	_ =	task.clear_ibuf [dreg:s8], $0x7FFFF;
	_ =	strace $0x90000046  }
0xb5: {  	s29 =	simm.s32 $0x9;
	_ =	strace $0x80000048  }
0xb6: {  	_ =	swait.ge [sflag:s29], $0x1  }
0xb7: {  	[sflag:s29] =	ssyncadd.s32 $0xFFFFFFFF  }
0xb8: {  	_ =	strace $0x90000048  }
0xb9: {  	_ =	sfence  }
0xba: {  	s30 =	sld [smem:$0x0];
	_ =	sdelay $0x2  }
0xbb: {  	s31 =	sshll.u32 s1, $0xD;
	s1 =	sshrl.u32 s1, $0x2  }
0xbc: {  	s3 =	sand.u32 $0x4000, s31;
	s1 =	sadd.s32 s1, s30  }
0xbd: {  	s0 =	sor.u32 s3, s0;
	s1 =	sshll.u32 s1, $0x11  }
0xbe: {  	s0 =	sor.u32 s1, s0  }
0xbf: {  	s0 =	sadd.s32 $0x8F2B, s0  }
0xc0: {  	[sflag:s0] =	ssyncadd.remote.s32 $0x1  }
0xc1: {  	_ =	sfence.sel $0xFFFF  }
0xc2: {  	[dreg:$0x0] =	wrdreg $0xFFFFFFFF;
	(pc) =	sbr.abs _section_cstart, $3  }
0xc3: {  	[dreg:$0x1] =	wrdreg $0xFFFFFFFF  }
0xc4: {  	_ =	task.clear_ibuf [dreg:s8], $0x2FFFF;
	_ =	strace $0x9FFFFFFF  }
0xc5: {  	(tm) =	ssettm $0x7FFFFFFF  }
tec
execute0_lowered:
.L_overlay_start_1:
0x0: {  	(tag) =	ssettag $0x1  }
0x1: {  	s1 =	rddreg [dreg:$0x0]  }
0x2: {  	s0 =	rddreg [dreg:$0x1]  }
0x3: {  	s3 =	rddreg [dreg:$0x2]  }
0x4: {  	s2 =	rddreg [dreg:$0x3]  }
0x5: {  	s4 =	simm.s32 $0x0;
	s5 =	srdreg.scid;
	s17 =	stileid.u32  }
0x6: {  	s28 =	simm.s32 $0x8;
	s29 =	simm.s32 $0x2;
	s30 =	simm.s32 $0x5  }
0x7: {  	s31 =	simm.s32 $0x3;
	[smem:$0x7FF] =	sst s4;
	s8 =	smul.u32 $0x4E000, s17  }
0x8: {  	s5 =	sand.u32 $0x1, s5;
	s6 =	sshll.u32 s17, $0x1;
	s11 =	smul.u32 $0x2700, s17  }
0x9: {  	s7 =	sadd.s32 $0x2800, s0;
	s0 =	sadd.s32 $0x16200, s0;
	s14 =	smul.u32 $0x13800, s17  }
0xa: {  	s16 =	sadd.s32 $0x124800, s2;
	s12 =	smul.u32 $0x4E20, s17;
	p0 =	seq.s32 s17, $0xF  }
0xb: {  	_ =	strace $0x80000047;
	s6 =	sor.u32 s5, s6;
	s13 =	smul.u32 $0x138800, s5  }
0xc: {  	s9 =	ssub.s32 $0x2, s5;
	s18 =	smul.u32 $0x2710, s5;
	s16 =	sshrl.u32 @p0 s16, $0x3  }
0xd: {  	s6 =	smul.u32 $0x2710, s6;
	s10 =	sshrl.u32 s9, $0x1;
	s11 =	sadd.s32 s3, s11  }
0xe: {  	s8 =	sshrl.u32 s8, $0x2;
	s3 =	sadd.s32 $0x24900, s3;
	[dreg:$0x5] =	wrdreg s11  }
0xf: {  	s9 =	ssub.s32 s9, s10;
	s8 =	sadd.s32 s8, s2;
	[dreg:$0x7] =	wrdreg s3  }
0x10: {  	s20 =	sadd.s32 s14, s13;
	s10 =	sshrl.u32 s13, $0x3;
	s3 =	sadd.s32 s18, s12  }
0x11: {  	s6 =	sshrl.u32 s6, $0x3;
	s5 =	sshrl.u32 s20, $0x3;
	s21 =	sadd.s32 s0, s10  }
0x12: {  	s23 =	sadd.s32 $0x4E340, s3;
	s12 =	smax.u32 s9, $0x1;
	s24 =	sadd.s32 $0x4E2F0, s3  }
0x13: {  	s3 =	sadd.s32 $0x4E2A0, s3;
	s18 =	sshrl.u32 @!p0 s8, $0x3;
	s20 =	simm.s32 $0x2780  }
0x14: {  	s6 =	sadd.s32 s7, s6;
	s0 =	sadd.s32 s0, s5;
	s22 =	sadd.s32 $0x24900, s21  }
0x15: {  	s25 =	sshrl.u32 s24, $0x3;
	s26 =	sshrl.u32 s3, $0x3;
	s21 =	simm.s32 $0x50  }
0x16: {  	s24 =	simm.s32 $0x5100;
	s3 =	simm.s32 $0x2880;
	[dreg:$0x6] =	wrdreg s6  }
0x17: {  	s5 =	simm.s32 $0x7900;
	s15 =	sadd.s32 $0x9C40, s6;
	[dreg:$0xa] =	wrdreg s0  }
0x18: {  	s19 =	sadd.s32 $0x9C4A, s6;
	[dreg:$0xb] =	wrdreg s22;
	s0 =	sshrl.u32 s23, $0x3  }
.Ltmp0:
0x19: {  	s14 =	sadd.s32 s25, s7;
	s22 =	simm.s32 $0x2900;
	(pc) =	sbr.rel .LBB2_1-.Ltmp0, $4  }
0x1a: {  	s23 =	simm.s32 $0x2800;
	s25 =	simm.s32 $0x1;
	[dreg:$0x8] =	wrdreg s15  }
0x1b: {  	[dreg:$0x9] =	wrdreg s19;
	s13 =	sadd.s32 s0, s7;
	s15 =	sadd.s32 s26, s7  }
0x1c: {  	s0 =	sshll.u32 @!p0 s17, $0x6;
	s19 =	simm.s32 $0x7;
	s26 =	simm.s32 $0x4  }
0x1d: {  	s7 =	simm.s32 $0x0;
	s17 =	sor.u32 @!p0 $0x1C07, s0;
	s0 =	simm.s32 $0x6  }
.LBB2_4:
0x1e: {  	[spmem:s2] =	stream.indirect.scatter.add.f32 [tilespmem:s24], [sflag:$0x8], $0x80, s23, s21, $0xb8;
	[tilespmem:$0x1D980] =	vst v63  }
0x1f: {  	_ =	swait.ge [sflag:s28], $0x2800  }
0x20: {  	[sflag:s28] =	ssyncset.done $0x0  }
0x21: {  	[sflag:s28] =	ssyncadd.s32 $0xFFFFD800  }
0x22: {  	[bflag:$0x0] =	sbarrier.arrive $0xFFFF  }
0x23: {  	s6 =	simm.s32 @p0 $0x1FC7;
	s8 =	rddreg [dreg:$0xb]  }
0x24: {  	[hbm:s8], [sflag:s6] =	dma.local @p0 [spmem:s16], $0x2800  }
0x25: {  	s6 =	simm.s32 @p0 $0x7  }
0x26: {  	_ =	swait.ge @p0 [sflag:s6], $0x2800  }
0x27: {  	s7 =	sadd.s32 $0x1, s7;
	[sflag:s6] =	ssyncset.done @p0 $0x0  }
0x28: {  	p1 =	sne.s32 s7, s12;
	[sflag:s6] =	ssyncadd.s32 @p0 $0xFFFFD800;
	s6 =	rddreg [dreg:$0xa]  }
0x29: {  	[hbm:s6], [sflag:s17] =	dma.local @!p0 [spmem:s18], $0x2700  }
.Ltmp1:
0x2a: {  	_ = 	snop;
	(pc) =	sbr.rel @!p1 .LBB2_5-.Ltmp1, $4  }
0x2b: {  	s6 =	simm.s32 @!p0 $0x7  }
0x2c: {  	_ =	swait.ge @!p0 [sflag:s6], $0x2700  }
0x2d: {  	[sflag:s6] =	ssyncset.done @!p0 $0x0  }
0x2e: {  	[sflag:s6] =	ssyncadd.s32 @!p0 $0xFFFFD900  }
.LBB2_1:
0x2f: {  	s8 =	simm.s32 @p0 $0x1FC7;
	s6 =	rddreg [dreg:$0x7]  }
0x30: {  	[spmem:s16], [sflag:s8] =	dma.local @p0 [hbm:s6], $0x2800  }
0x31: {  	s8 =	simm.s32 @p0 $0x7  }
0x32: {  	_ =	swait.ge @p0 [sflag:s8], $0x2800  }
0x33: {  	[sflag:s8] =	ssyncset.done @p0 $0x0  }
0x34: {  	s6 =	rddreg [dreg:$0x5];
	[sflag:s8] =	ssyncadd.s32 @p0 $0xFFFFD800;
	s8 =	simm.s32 @!p0 $0x7  }
0x35: {  	[spmem:s18], [sflag:s17] =	dma.local @!p0 [hbm:s6], $0x2700  }
0x36: {  	_ =	swait.ge @!p0 [sflag:s8], $0x2700  }
0x37: {  	[sflag:s8] =	ssyncset.done @!p0 $0x0  }
0x38: {  	s9 =	rddreg [dreg:$0x6];
	[sflag:s8] =	ssyncadd.s32 @!p0 $0xFFFFD900  }
0x39: {  	[tilespmem:s4], [sflag:$0x7] =	stream.linear.gather [hbm4b:s9+s4], $0x2710, $0x38;
	[tilespmem:$0x1D980] =	vst v63  }
0x3a: {  	_ =	swait.ge [sflag:s19], $0x2710  }
0x3b: {  	[sflag:s19] =	ssyncset.done $0x0  }
0x3c: {  	[sflag:s19] =	ssyncadd.s32 $0xFFFFD8F0  }
0x3d: {  	[bflag:$0x0] =	sbarrier.arrive $0xFFFF  }
0x3e: {  	s10 =	rddreg [dreg:$0x8]  }
0x3f: {  	[tilespmem:s20], [sflag:$0x1] =	stream.linear.gather [hbm4b:s10+s4], $0x50, $0x38;
	[tilespmem:$0x1D980] =	vst v63  }
0x40: {  	_ = 	snop  }
0x41: {  	[tilespmem:s22], [sflag:$0x4] =	stream.indirect.gather [hbm4b:s1+s21], $0x80, s4, s21, $0xb8;
	[tilespmem:$0x1D980] =	vst v63  }
0x42: {  	s11 =	rddreg [dreg:$0x9]  }
0x43: {  	[tilespmem:s23], [sflag:$0x2] =	stream.linear.gather [hbm4b:s11+s4], $0x50, $0x38;
	[tilespmem:$0x1D980] =	vst v63  }
0x44: {  	s8 =	simm.s32 $0x140;
	s9 =	simm.s32 $0x0  }
0x45: {  	[tilespmem:s24], [sflag:$0x5] =	stream.indirect.gather [hbm4b:s1+s21], $0x80, s21, s21, $0xb8;
	[tilespmem:$0x1D980] =	vst v63  }
.LBB2_2:
0x46: {  	_ =	swait.ge [sflag:s25], $0x50  }
0x47: {  	[sflag:s25] =	ssyncset.done $0x0  }
0x48: {  	[sflag:s25] =	ssyncadd.s32 $0xFFFFFFB0  }
0x49: {  	p1 =	seq.s32 s9, $0x4CE;
	_ =	swait.ge [sflag:s26], $0x2800  }
0x4a: {  	s6 =	sadd.s32 @!p1 s9, s15;
	[sflag:s26] =	ssyncset.done $0x0  }
0x4b: {  	s10 =	simm.s32 @!p1 $0x0;
	s11 =	simm.s32 @!p1 $0x2880;
	[sflag:s26] =	ssyncadd.s32 $0xFFFFD800  }
0x4c: {  	[tilespmem:s11], [sflag:$0x3] =	stream.linear.gather @!p1 [hbm4b:s6+s10], $0x50, $0x38;
	[tilespmem:$0x1D980] =	vst v63  }
0x4d: {  	s6 =	sadd.s32 @!p1 $0xFFFFFF60, s8;
	s10 =	simm.s32 @!p1 $0x50;
	s11 =	simm.s32 @!p1 $0x7900  }
0x4e: {  	[tilespmem:s11], [sflag:$0x6] =	stream.indirect.gather @!p1 [hbm4b:s1+s10], $0x80, s6, s10, $0xb8;
	[tilespmem:$0x1D980] =	vst v63  }
0x4f: {  	_ = 	snop  }
0x50: {  	[spmem:s2] =	stream.indirect.scatter.add.f32 [tilespmem:s22], [sflag:$0x8], $0x80, s20, s21, $0xb8;
	[tilespmem:$0x1D980] =	vst v63  }
0x51: {  	_ =	swait.ge [sflag:s28], $0x2800  }
0x52: {  	[sflag:s28] =	ssyncset.done $0x0  }
0x53: {  	[sflag:s28] =	ssyncadd.s32 $0xFFFFD800  }
0x54: {  	_ =	swait.ge [sflag:s29], $0x50  }
.Ltmp2:
0x55: {  	[sflag:s29] =	ssyncset.done $0x0;
	(pc) =	sbr.rel @p1 .LBB2_4-.Ltmp2, $4  }
0x56: {  	[sflag:s29] =	ssyncadd.s32 $0xFFFFFFB0  }
0x57: {  	_ =	swait.ge [sflag:s30], $0x2800  }
0x58: {  	[sflag:s30] =	ssyncset.done $0x0  }
0x59: {  	[sflag:s30] =	ssyncadd.s32 $0xFFFFD800  }
0x5a: {  	s6 =	sadd.s32 s9, s14  }
0x5b: {  	[tilespmem:s20], [sflag:$0x1] =	stream.linear.gather [hbm4b:s6+s4], $0x50, $0x38;
	[tilespmem:$0x1D980] =	vst v63  }
0x5c: {  	s10 =	sadd.s32 $0xFFFFFFB0, s8  }
0x5d: {  	[tilespmem:s22], [sflag:$0x4] =	stream.indirect.gather [hbm4b:s1+s21], $0x80, s10, s21, $0xb8;
	[tilespmem:$0x1D980] =	vst v63  }
0x5e: {  	_ = 	snop  }
0x5f: {  	[spmem:s2] =	stream.indirect.scatter.add.f32 [tilespmem:s24], [sflag:$0x8], $0x80, s23, s21, $0xb8;
	[tilespmem:$0x1D980] =	vst v63  }
0x60: {  	_ =	swait.ge [sflag:s28], $0x2800  }
0x61: {  	[sflag:s28] =	ssyncset.done $0x0  }
0x62: {  	[sflag:s28] =	ssyncadd.s32 $0xFFFFD800  }
0x63: {  	_ =	swait.ge [sflag:s31], $0x50  }
0x64: {  	[sflag:s31] =	ssyncset.done $0x0  }
0x65: {  	[sflag:s31] =	ssyncadd.s32 $0xFFFFFFB0  }
0x66: {  	_ =	swait.ge [sflag:s0], $0x2800  }
0x67: {  	[sflag:s0] =	ssyncset.done $0x0  }
0x68: {  	s11 =	sadd.s32 s9, s13;
	[sflag:s0] =	ssyncadd.s32 $0xFFFFD800  }
0x69: {  	[tilespmem:s23], [sflag:$0x2] =	stream.linear.gather [hbm4b:s11+s4], $0x50, $0x38;
	[tilespmem:$0x1D980] =	vst v63  }
0x6a: {  	_ = 	snop  }
0x6b: {  	[tilespmem:s24], [sflag:$0x5] =	stream.indirect.gather [hbm4b:s1+s21], $0x80, s8, s21, $0xb8;
	[tilespmem:$0x1D980] =	vst v63  }
.Ltmp3:
0x6c: {  	_ = 	snop;
	(pc) =	sbr.rel .LBB2_2-.Ltmp3, $4  }
0x6d: {  	[spmem:s2] =	stream.indirect.scatter.add.f32 [tilespmem:s5], [sflag:$0x7], $0x80, s3, s21, $0xb8;
	[tilespmem:$0x1D980] =	vst v63  }
0x6e: {  	_ =	swait.ge [sflag:s19], $0x2800  }
0x6f: {  	[sflag:s19] =	ssyncset.done $0x0  }
0x70: {  	s9 =	sadd.s32 $0x1E, s9;
	s8 =	sadd.s32 $0xF0, s8;
	[sflag:s19] =	ssyncadd.s32 $0xFFFFD800  }
.LBB2_5:
0x71: {  	_ =	sfence.sel $0x180000  }
0x72: {  	[bflag:$0x0] =	sbarrier.arrive $0xFFFF  }
0x73: {  	_ =	strace $0x90000047  }
0x74: {  	s0 =	stileid.u32;
	[bflag:$0x2] =	sbarrier.arrive $0xFFFF  }
0x75: {  	p0 =	sne.s32 s0, $0x0;
	s0 =	rddreg [dreg:$0x4]  }
0x76: {  	s0 =	sadd.s32 @!p0 $0x100000, s0  }
0x77: {  	[sflag:s0] =	ssyncadd.tile.s32 @!p0 $0x1;
	_ =	shalt  }
.Lfunc_end2:
_tile_overlayer_lowered:
.L_overlay_start_2:
0x78: {  	(tag) =	ssettag $0x2  }
0x79: {  	s0 =	rddreg [dreg:$0x0];
	s2 =	stileid.u32  }
0x7a: {  	s1 =	rddreg [dreg:$0x1];
	p0 =	sne.s32 s2, $0x0  }
0x7b: {  	s3 =	rddreg [dreg:$0x2];
	[bflag:$0x3] =	sbarrier.arrive $0xFFFF;
	s2 =	simm.s32 @!p0 $0x1C07  }
0x7c: {  	[timem:s3], [sflag:s2] =	dma.local @!p0 [hbm:s0], s1  }
0x7d: {  	s0 =	simm.s32 @!p0 $0x7  }
0x7e: {  	_ =	swait.ge @!p0 [sflag:s0], s1  }
0x7f: {  	s1 =	ssub.s32 @!p0 $0x0, s1;
	[sflag:s0] =	ssyncset.done @!p0 $0x0  }
0x80: {  	[sflag:s0] =	ssyncadd.s32 @!p0 s1  }
0x81: {  	[bflag:$0x3] =	sbarrier.arrive $0xFFFF  }
0x82: {  	_ =	shalt  }

// kernel: kernel.9.cloned.1.call-start
scs
__scs_entry_jumppad:
0x0: {  	(pc) =	sbr.rel $0x88, $3  }
0x1: {  	(tag) =	ssettag $0x0;
	lr =	simm.s32 $0x1  }
0x2: {  	[smem:$0x3F95] =	sst lr;
	_ =	strace $0xD0000000  }
0x3: {  	_ = 	snop  }
0x4: {  	_ = 	snop  }
0x5: {  	_ = 	snop  }
0x6: {  	_ = 	snop  }
0x7: {  	_ = 	snop  }
__scs_overlays_trampoline_lowered:
0x8: {  	[smem:$0x3FA4] =	sst s0  }
0x9: {  	[smem:$0x3FA5] =	sst s1  }
0xa: {  	[smem:$0x3FA6] =	sst s2  }
0xb: {  	[smem:$0x3FA7] =	sst s3  }
0xc: {  	[smem:$0x3FA8] =	sst s4  }
0xd: {  	[smem:$0x3FA9] =	sst s5  }
0xe: {  	[smem:$0x3FAA] =	sst s6  }
0xf: {  	[smem:$0x3FAB] =	sst s7  }
0x10: {  	[smem:$0x3FAC] =	sst s8  }
0x11: {  	[smem:$0x3FAD] =	sst s9;
	s0 =	simm.s32 @!p0 $0x0  }
0x12: {  	s1 =	sld [smem:$0x3F93];
	s0 =	simm.s32 @p0 $0x1  }
0x13: {  	[smem:$0x3FAE] =	sst s0;
	s0 =	simm.s32 @!p1 $0x0  }
0x14: {  	s2 =	sld [smem:$0x3F92];
	s0 =	simm.s32 @p1 $0x1  }
0x15: {  	[smem:$0x3FAF] =	sst s0;
	s0 =	simm.s32 @!p2 $0x0  }
0x16: {  	s3 =	sld [smem:$0x3FDB];
	s0 =	simm.s32 @p2 $0x1  }
0x17: {  	s4 =	simm.s32 $0x1BF5;
	[smem:$0x3FB1] =	sst s0  }
0x18: {  	s0 =	sld [smem:$0x3F94];
	_ =	swait.ge [sflag:s4], $0x0  }
0x19: {  	s7 =	sld [smem:$0x3F95]  }
0x1a: {  	s8 =	sadd.s32 $0xFFFFE003, lr  }
0x1b: {  	s9 =	sadd.s32 $0xFFFFFEF7, lr;
	s5 =	simm.s32 $0xFFFFFFFF;
	p2 =	slt.u32 s8, $0xFFFFF086  }
0x1c: {  	p1 =	slt.u32 s9, $0xF7A;
	s5 =	simm.s32 @!p2 $0x0  }
0x1d: {  	s5 =	simm.s32 @p1 $0x1;
	p0 =	seq.s32 s7, s2  }
0x1e: {  	s7 =	smul.u32 @!p0 $0xF7A, s2;
	p2 =	seq.s32 @!p0 s5, $0x0  }
0x1f: {  	s9 =	smul.u32 $0xF7A, s1;
	s8 =	simm.s32 @!p0 $0x1BF5;
	p2 =	por !p2, p0  }
0x20: {  	[sflag:s8] =	ssyncset.s32 @!p0 $0xFFFFF086;
	s6 =	sadd.s32 @!p0 s3, s7;
	s7 =	simm.s32 @!p0 $0x108  }
0x21: {  	s3 =	sadd.s32 s3, s9;
	s6 =	sadd.s32 @!p0 $0x88, s6;
	s7 =	simm.s32 @p2 $0x1082  }
0x22: {  	[simem:s7], [sflag:s8] =	dma.local @!p0 [hbm:s6], $0xF7A  }
0x23: {  	s9 =	sor.u32 $0xD0000000, s2;
	s6 =	simm.s32 $0x108;
	_ =	swait.ge @!p0 [sflag:s8], $0x0  }
0x24: {  	s3 =	sadd.s32 $0x88, s3;
	s6 =	simm.s32 @!p1 $0x1082;
	[sflag:s4] =	ssyncset.s32 $0xFFFFF086  }
0x25: {  	[simem:s6], [sflag:s4] =	dma.local [hbm:s3], $0xF7A  }
0x26: {  	[smem:$0x3F95] =	sst s1;
	(tag) =	ssettag s2;
	_ =	strace s9  }
0x27: {  	s1 =	sld [smem:$0x3FA5]  }
0x28: {  	s2 =	sld [smem:$0x3FA6]  }
0x29: {  	s4 =	sld [smem:$0x3FA8]  }
0x2a: {  	p0 =	seq.s32 s5, $0x0;
	s5 =	sld [smem:$0x3FA9]  }
0x2b: {  	s6 =	sld [smem:$0x3FAA]  }
0x2c: {  	s7 =	sld [smem:$0x3FAB]  }
0x2d: {  	s3 =	simm.s32 $0x108;
	s8 =	sld [smem:$0x3FAC]  }
0x2e: {  	s3 =	simm.s32 @!p0 $0x1082;
	s9 =	sld [smem:$0x3FAD]  }
0x2f: {  	lr =	sadd.s32 s0, s3;
	s0 =	sld [smem:$0x3FA4]  }
0x30: {  	s3 =	sld [smem:$0x3FA7]  }
0x31: {  	[smem:$0x3FB0] =	sst s10  }
0x32: {  	s10 =	sld [smem:$0x3FAE];
	_ =	sdelay $0x3  }
0x33: {  	p0 =	seq.s32 s10, $0x1;
	s10 =	sld [smem:$0x3FB0];
	_ =	sdelay $0x3  }
0x34: {  	[smem:$0x3FB0] =	sst s10  }
0x35: {  	s10 =	sld [smem:$0x3FAF];
	_ =	sdelay $0x3  }
0x36: {  	p1 =	seq.s32 s10, $0x1;
	s10 =	sld [smem:$0x3FB0];
	_ =	sdelay $0x3  }
0x37: {  	[smem:$0x3FB0] =	sst s10  }
0x38: {  	s10 =	sld [smem:$0x3FB1]  }
0x39: {  	_ = 	snop;
	(pc) =	sbr.ind lr, $3  }
0x3a: {  	_ = 	snop  }
0x3b: {  	_ = 	snop  }
0x3c: {  	p2 =	seq.s32 s10, $0x1;
	s10 =	sld [smem:$0x3FB0]  }
0x3d: {  	_ =	shalt  }
0x3e: {  	_ =	shalt  }
0x3f: {  	_ =	shalt  }
0x40: {  	_ =	shalt  }
0x41: {  	_ =	shalt  }
0x42: {  	_ =	shalt  }
0x43: {  	_ =	shalt  }
0x44: {  	_ =	shalt  }
0x45: {  	_ =	shalt  }
0x46: {  	_ =	shalt  }
0x47: {  	_ =	shalt  }
0x48: {  	_ =	shalt  }
0x49: {  	_ =	shalt  }
0x4a: {  	_ =	shalt  }
0x4b: {  	_ =	shalt  }
0x4c: {  	_ =	shalt  }
0x4d: {  	_ =	shalt  }
0x4e: {  	_ =	shalt  }
0x4f: {  	_ =	shalt  }
0x50: {  	_ =	shalt  }
0x51: {  	_ =	shalt  }
0x52: {  	_ =	shalt  }
0x53: {  	_ =	shalt  }
0x54: {  	_ =	shalt  }
0x55: {  	_ =	shalt  }
0x56: {  	_ =	shalt  }
0x57: {  	_ =	shalt  }
0x58: {  	_ =	shalt  }
0x59: {  	_ =	shalt  }
0x5a: {  	_ =	shalt  }
0x5b: {  	_ =	shalt  }
0x5c: {  	_ =	shalt  }
0x5d: {  	_ =	shalt  }
0x5e: {  	_ =	shalt  }
0x5f: {  	_ =	shalt  }
0x60: {  	_ =	shalt  }
0x61: {  	_ =	shalt  }
0x62: {  	_ =	shalt  }
0x63: {  	_ =	shalt  }
0x64: {  	_ =	shalt  }
0x65: {  	_ =	shalt  }
0x66: {  	_ =	shalt  }
0x67: {  	_ =	shalt  }
0x68: {  	_ =	shalt  }
0x69: {  	_ =	shalt  }
0x6a: {  	_ =	shalt  }
0x6b: {  	_ =	shalt  }
0x6c: {  	_ =	shalt  }
0x6d: {  	_ =	shalt  }
0x6e: {  	_ =	shalt  }
0x6f: {  	_ =	shalt  }
0x70: {  	_ =	shalt  }
0x71: {  	_ =	shalt  }
0x72: {  	_ =	shalt  }
0x73: {  	_ =	shalt  }
0x74: {  	_ =	shalt  }
0x75: {  	_ =	shalt  }
0x76: {  	_ =	shalt  }
0x77: {  	_ =	shalt  }
0x78: {  	_ =	shalt  }
0x79: {  	_ =	shalt  }
0x7a: {  	_ =	shalt  }
0x7b: {  	_ =	shalt  }
0x7c: {  	_ =	shalt  }
0x7d: {  	_ =	shalt  }
0x7e: {  	_ =	shalt  }
0x7f: {  	_ =	shalt  }
0x80: {  	_ =	shalt  }
0x81: {  	_ =	shalt  }
0x82: {  	_ =	shalt  }
0x83: {  	_ =	shalt  }
0x84: {  	_ =	shalt  }
0x85: {  	_ =	shalt  }
0x86: {  	_ =	shalt  }
0x87: {  	_ =	shalt  }
.Lfunc_end0:
.L_simem_size_0:
called_computation.1_lowered:
.L_overlay_start_0:
0x88: {  	s2 =	sld [smem:$0x3FD9]  }
0x89: {  	s3 =	sld [smem:$0x3FFE];
	_ =	sdelay $0x1  }
0x8a: {  	s1 =	srdreg.scid  }
0x8b: {  	s0 =	sand.u32 $0x1, s1  }
0x8c: {  	s17 =	sshll.u32 s0, $0xA;
	s2 =	sadd.s32 s3, s2  }
0x8d: {  	s2 =	sadd.s32 s2, s17  }
0x8e: {  	[smem:$0x3FBC] =	sst s2  }
0x8f: {  	_ = 	snop  }
0x90: {  	s2 =	sld [smem:$0x3FD0];
	(tm) =	ssettm $0x1  }
0x91: {  	s18 =	sld [smem:$0x3FFB];
	_ =	sdelay $0x3  }
0x92: {  	_ =	strace s18  }
0x93: {  	s3 =	sld [smem:$0x3FFC];
	_ =	sdelay $0x3  }
0x94: {  	_ =	strace s3  }
0x95: {  	s3 =	sld [smem:$0x3FFD];
	_ =	sdelay $0x3  }
0x96: {  	_ =	strace s3  }
0x97: {  	_ =	strace $0x8FFFFFFF  }
0x98: {  	s19 =	sld [smem:$0x3FDB];
	_ =	sdelay $0x1  }
0x99: {  	s4 =	simm.s32 $_scs_section_size  }
0x9a: {  	s5 =	simm.s32 $_size__tile_overlayer_lowered;
	s6 =	simm.s32 $_tile_overlayer_lowered  }
0x9b: {  	s22 =	simm.s32 $0x1BFF;
	s21 =	sshll.u32 s6, $0x1;
	s3 =	sadd.s32 s4, s19  }
0x9c: {  	s7 =	simm.s32 $0x0;
	s20 =	sshll.u32 s5, $0x1;
	s5 =	sadd.s32 s21, s3  }
0x9d: {  	[timem:s7], [sflag:s22] =	dma.local [hbm:s5], s20  }
0x9e: {  	_ =	swait.ge [sflag:s22], s20  }
0x9f: {  	s4 =	ssub.s32 $0x0, s20;
	[sflag:s22] =	ssyncset.done $0x0  }
0xa0: {  	[sflag:s22] =	ssyncadd.s32 s4;
	_ =	sdelay $0x1  }
0xa1: {  	s23 =	simm.s32 $0x1B8B  }
0xa2: {  	_ =	swait.ge [sflag:s23], $0x1  }
0xa3: {  	[sflag:s23] =	ssyncset.done $0x0  }
0xa4: {  	s25 =	simm.s32 $0x1B8E;
	s24 =	sld [smem:$0x3FFE];
	[sflag:s23] =	ssyncadd.s32 $0xFFFFFFFF  }
0xa5: {  	s26 =	simm.s32 $execute0_lowered;
	[smem:$0x3FD2] =	sst s25  }
0xa6: {  	s5 =	sshll.u32 s26, $0x1;
	_ =	strace $0x80000049;
	[dreg:$0x1] =	wrdreg $0xFFFFFFFF  }
0xa7: {  	s28 =	simm.s32 $_size_execute0_lowered;
	s3 =	sadd.s32 s3, s5;
	[dreg:$0x0] =	wrdreg $0x0  }
0xa8: {  	s5 =	sshll.u32 s28, $0x1;
	[dreg:$0x2] =	wrdreg s3  }
0xa9: {  	[dreg:$0x3] =	wrdreg s5  }
0xaa: {  	[dreg:$0x4] =	wrdreg $0xC0  }
0xab: {  	_ =	task [dreg:s7], $0x5FFFF  }
0xac: {  	[dreg:$0x1] =	wrdreg $0xFFFFFFFF  }
0xad: {  	[dreg:$0x0] =	wrdreg $0x60  }
0xae: {  	[dreg:$0x2] =	wrdreg s24  }
0xaf: {  	[dreg:$0x3] =	wrdreg s2  }
0xb0: {  	[dreg:$0x4] =	wrdreg $0xA1000  }
0xb1: {  	[dreg:$0x5] =	wrdreg $0x9  }
0xb2: {  	_ =	task.clear_ibuf [dreg:s7], $0x6FFFF;
	_ =	strace $0x90000049  }
0xb3: {  	s29 =	simm.s32 $0x9;
	_ =	strace $0x8000004B  }
0xb4: {  	_ =	swait.ge [sflag:s29], $0x1  }
0xb5: {  	[sflag:s29] =	ssyncadd.s32 $0xFFFFFFFF  }
0xb6: {  	_ =	strace $0x9000004B  }
0xb7: {  	_ =	sfence  }
0xb8: {  	s30 =	sld [smem:$0x0];
	_ =	sdelay $0x2  }
0xb9: {  	s31 =	sshll.u32 s1, $0xD;
	s1 =	sshrl.u32 s1, $0x2  }
0xba: {  	s3 =	sand.u32 $0x4000, s31;
	s1 =	sadd.s32 s1, s30  }
0xbb: {  	s0 =	sor.u32 s3, s0;
	s1 =	sshll.u32 s1, $0x11  }
0xbc: {  	s0 =	sor.u32 s1, s0  }
0xbd: {  	s0 =	sadd.s32 $0x8F2B, s0  }
0xbe: {  	[sflag:s0] =	ssyncadd.remote.s32 $0x1  }
0xbf: {  	_ =	sfence.sel $0xFFFF  }
0xc0: {  	[dreg:$0x0] =	wrdreg $0xFFFFFFFF;
	(pc) =	sbr.abs _section_cstart, $3  }
0xc1: {  	[dreg:$0x1] =	wrdreg $0xFFFFFFFF  }
0xc2: {  	_ =	task.clear_ibuf [dreg:s7], $0x2FFFF;
	_ =	strace $0x9FFFFFFF  }
0xc3: {  	(tm) =	ssettm $0x7FFFFFFF  }
tec
execute0_lowered:
.L_overlay_start_1:
0x0: {  	(tag) =	ssettag $0x1  }
0x1: {  	s0 =	rddreg [dreg:$0x0]  }
0x2: {  	s2 =	rddreg [dreg:$0x1]  }
0x3: {  	s1 =	rddreg [dreg:$0x2];
	s3 =	simm.s32 $0x0  }
0x4: {  	s5 =	srdreg.scid;
	s17 =	stileid.u32;
	s28 =	simm.s32 $0x8  }
0x5: {  	s29 =	simm.s32 $0x2;
	s30 =	simm.s32 $0x5;
	s31 =	simm.s32 $0x3  }
0x6: {  	[smem:$0x7FF] =	sst s3;
	s4 =	sadd.s32 $0x16200, s0;
	s8 =	smul.u32 $0x4E000, s17  }
0x7: {  	s5 =	sand.u32 $0x1, s5;
	s6 =	sshll.u32 s17, $0x1;
	s11 =	smul.u32 $0x2700, s17  }
0x8: {  	s7 =	sadd.s32 $0x2800, s0;
	s0 =	sadd.s32 $0x3D400, s0;
	s14 =	smul.u32 $0x13800, s17  }
0x9: {  	s16 =	sadd.s32 $0x124800, s1;
	s12 =	smul.u32 $0x4E20, s17;
	p0 =	seq.s32 s17, $0xF  }
0xa: {  	_ =	strace $0x8000004A;
	s6 =	sor.u32 s5, s6;
	s13 =	smul.u32 $0x138800, s5  }
0xb: {  	s9 =	ssub.s32 $0x2, s5;
	s18 =	smul.u32 $0x2710, s5;
	s16 =	sshrl.u32 @p0 s16, $0x3  }
0xc: {  	s6 =	smul.u32 $0x2710, s6;
	s10 =	sshrl.u32 s9, $0x1;
	s11 =	sadd.s32 s2, s11  }
0xd: {  	s8 =	sshrl.u32 s8, $0x2;
	s2 =	sadd.s32 $0x24900, s2;
	[dreg:$0x4] =	wrdreg s11  }
0xe: {  	s9 =	ssub.s32 s9, s10;
	s8 =	sadd.s32 s8, s1;
	[dreg:$0x6] =	wrdreg s2  }
0xf: {  	s20 =	sadd.s32 s14, s13;
	s10 =	sshrl.u32 s13, $0x3;
	s2 =	sadd.s32 s18, s12  }
0x10: {  	s6 =	sshrl.u32 s6, $0x3;
	s5 =	sshrl.u32 s20, $0x3;
	s21 =	sadd.s32 s0, s10  }
0x11: {  	s23 =	sadd.s32 $0x4E340, s2;
	s12 =	smax.u32 s9, $0x1;
	s24 =	sadd.s32 $0x4E2F0, s2  }
0x12: {  	s2 =	sadd.s32 $0x4E2A0, s2;
	s18 =	sshrl.u32 @!p0 s8, $0x3;
	s20 =	simm.s32 $0x2780  }
0x13: {  	s6 =	sadd.s32 s7, s6;
	s0 =	sadd.s32 s0, s5;
	s22 =	sadd.s32 $0x24900, s21  }
0x14: {  	s25 =	sshrl.u32 s24, $0x3;
	s26 =	sshrl.u32 s2, $0x3;
	s21 =	simm.s32 $0x50  }
0x15: {  	s24 =	simm.s32 $0x5100;
	s2 =	simm.s32 $0x2880;
	[dreg:$0x5] =	wrdreg s6  }
0x16: {  	s5 =	simm.s32 $0x7900;
	s15 =	sadd.s32 $0x9C40, s6;
	[dreg:$0x9] =	wrdreg s0  }
0x17: {  	s19 =	sadd.s32 $0x9C4A, s6;
	[dreg:$0xa] =	wrdreg s22;
	s0 =	sshrl.u32 s23, $0x3  }
.Ltmp0:
0x18: {  	s14 =	sadd.s32 s25, s7;
	s22 =	simm.s32 $0x2900;
	(pc) =	sbr.rel .LBB2_1-.Ltmp0, $4  }
0x19: {  	s23 =	simm.s32 $0x2800;
	s25 =	simm.s32 $0x1;
	[dreg:$0x7] =	wrdreg s15  }
0x1a: {  	[dreg:$0x8] =	wrdreg s19;
	s13 =	sadd.s32 s0, s7;
	s15 =	sadd.s32 s26, s7  }
0x1b: {  	s0 =	sshll.u32 @!p0 s17, $0x6;
	s19 =	simm.s32 $0x7;
	s26 =	simm.s32 $0x4  }
0x1c: {  	s7 =	simm.s32 $0x0;
	s17 =	sor.u32 @!p0 $0x1C07, s0;
	s0 =	simm.s32 $0x6  }
.LBB2_4:
0x1d: {  	[spmem:s1] =	stream.indirect.scatter.add.f32 [tilespmem:s24], [sflag:$0x8], $0x80, s23, s21, $0xb8;
	[tilespmem:$0x1D980] =	vst v63  }
0x1e: {  	_ =	swait.ge [sflag:s28], $0x2800  }
0x1f: {  	[sflag:s28] =	ssyncset.done $0x0  }
0x20: {  	[sflag:s28] =	ssyncadd.s32 $0xFFFFD800  }
0x21: {  	[bflag:$0x0] =	sbarrier.arrive $0xFFFF  }
0x22: {  	s6 =	simm.s32 @p0 $0x1FC7;
	s8 =	rddreg [dreg:$0xa]  }
0x23: {  	[hbm:s8], [sflag:s6] =	dma.local @p0 [spmem:s16], $0x2800  }
0x24: {  	s6 =	simm.s32 @p0 $0x7  }
0x25: {  	_ =	swait.ge @p0 [sflag:s6], $0x2800  }
0x26: {  	s7 =	sadd.s32 $0x1, s7;
	[sflag:s6] =	ssyncset.done @p0 $0x0  }
0x27: {  	p1 =	sne.s32 s7, s12;
	[sflag:s6] =	ssyncadd.s32 @p0 $0xFFFFD800;
	s6 =	rddreg [dreg:$0x9]  }
0x28: {  	[hbm:s6], [sflag:s17] =	dma.local @!p0 [spmem:s18], $0x2700  }
.Ltmp1:
0x29: {  	_ = 	snop;
	(pc) =	sbr.rel @!p1 .LBB2_5-.Ltmp1, $4  }
0x2a: {  	s6 =	simm.s32 @!p0 $0x7  }
0x2b: {  	_ =	swait.ge @!p0 [sflag:s6], $0x2700  }
0x2c: {  	[sflag:s6] =	ssyncset.done @!p0 $0x0  }
0x2d: {  	[sflag:s6] =	ssyncadd.s32 @!p0 $0xFFFFD900  }
.LBB2_1:
0x2e: {  	s8 =	simm.s32 @p0 $0x1FC7;
	s6 =	rddreg [dreg:$0x6]  }
0x2f: {  	[spmem:s16], [sflag:s8] =	dma.local @p0 [hbm:s6], $0x2800  }
0x30: {  	s8 =	simm.s32 @p0 $0x7  }
0x31: {  	_ =	swait.ge @p0 [sflag:s8], $0x2800  }
0x32: {  	[sflag:s8] =	ssyncset.done @p0 $0x0  }
0x33: {  	s6 =	rddreg [dreg:$0x4];
	[sflag:s8] =	ssyncadd.s32 @p0 $0xFFFFD800;
	s8 =	simm.s32 @!p0 $0x7  }
0x34: {  	[spmem:s18], [sflag:s17] =	dma.local @!p0 [hbm:s6], $0x2700  }
0x35: {  	_ =	swait.ge @!p0 [sflag:s8], $0x2700  }
0x36: {  	[sflag:s8] =	ssyncset.done @!p0 $0x0  }
0x37: {  	s9 =	rddreg [dreg:$0x5];
	[sflag:s8] =	ssyncadd.s32 @!p0 $0xFFFFD900  }
0x38: {  	[tilespmem:s3], [sflag:$0x7] =	stream.linear.gather [hbm4b:s9+s3], $0x2710, $0x38;
	[tilespmem:$0x1D980] =	vst v63  }
0x39: {  	_ =	swait.ge [sflag:s19], $0x2710  }
0x3a: {  	[sflag:s19] =	ssyncset.done $0x0  }
0x3b: {  	[sflag:s19] =	ssyncadd.s32 $0xFFFFD8F0  }
0x3c: {  	[bflag:$0x0] =	sbarrier.arrive $0xFFFF  }
0x3d: {  	s10 =	rddreg [dreg:$0x7]  }
0x3e: {  	[tilespmem:s20], [sflag:$0x1] =	stream.linear.gather [hbm4b:s10+s3], $0x50, $0x38;
	[tilespmem:$0x1D980] =	vst v63  }
0x3f: {  	_ = 	snop  }
0x40: {  	[tilespmem:s22], [sflag:$0x4] =	stream.indirect.gather [hbm4b:s4+s21], $0x80, s3, s21, $0xb8;
	[tilespmem:$0x1D980] =	vst v63  }
0x41: {  	s11 =	rddreg [dreg:$0x8]  }
0x42: {  	[tilespmem:s23], [sflag:$0x2] =	stream.linear.gather [hbm4b:s11+s3], $0x50, $0x38;
	[tilespmem:$0x1D980] =	vst v63  }
0x43: {  	s8 =	simm.s32 $0x140;
	s9 =	simm.s32 $0x0  }
0x44: {  	[tilespmem:s24], [sflag:$0x5] =	stream.indirect.gather [hbm4b:s4+s21], $0x80, s21, s21, $0xb8;
	[tilespmem:$0x1D980] =	vst v63  }
.LBB2_2:
0x45: {  	_ =	swait.ge [sflag:s25], $0x50  }
0x46: {  	[sflag:s25] =	ssyncset.done $0x0  }
0x47: {  	[sflag:s25] =	ssyncadd.s32 $0xFFFFFFB0  }
0x48: {  	p1 =	seq.s32 s9, $0x4CE;
	_ =	swait.ge [sflag:s26], $0x2800  }
0x49: {  	s6 =	sadd.s32 @!p1 s9, s15;
	[sflag:s26] =	ssyncset.done $0x0  }
0x4a: {  	s10 =	simm.s32 @!p1 $0x0;
	s11 =	simm.s32 @!p1 $0x2880;
	[sflag:s26] =	ssyncadd.s32 $0xFFFFD800  }
0x4b: {  	[tilespmem:s11], [sflag:$0x3] =	stream.linear.gather @!p1 [hbm4b:s6+s10], $0x50, $0x38;
	[tilespmem:$0x1D980] =	vst v63  }
0x4c: {  	s6 =	sadd.s32 @!p1 $0xFFFFFF60, s8;
	s10 =	simm.s32 @!p1 $0x50;
	s11 =	simm.s32 @!p1 $0x7900  }
0x4d: {  	[tilespmem:s11], [sflag:$0x6] =	stream.indirect.gather @!p1 [hbm4b:s4+s10], $0x80, s6, s10, $0xb8;
	[tilespmem:$0x1D980] =	vst v63  }
0x4e: {  	_ = 	snop  }
0x4f: {  	[spmem:s1] =	stream.indirect.scatter.add.f32 [tilespmem:s22], [sflag:$0x8], $0x80, s20, s21, $0xb8;
	[tilespmem:$0x1D980] =	vst v63  }
0x50: {  	_ =	swait.ge [sflag:s28], $0x2800  }
0x51: {  	[sflag:s28] =	ssyncset.done $0x0  }
0x52: {  	[sflag:s28] =	ssyncadd.s32 $0xFFFFD800  }
0x53: {  	_ =	swait.ge [sflag:s29], $0x50  }
.Ltmp2:
0x54: {  	[sflag:s29] =	ssyncset.done $0x0;
	(pc) =	sbr.rel @p1 .LBB2_4-.Ltmp2, $4  }
0x55: {  	[sflag:s29] =	ssyncadd.s32 $0xFFFFFFB0  }
0x56: {  	_ =	swait.ge [sflag:s30], $0x2800  }
0x57: {  	[sflag:s30] =	ssyncset.done $0x0  }
0x58: {  	[sflag:s30] =	ssyncadd.s32 $0xFFFFD800  }
0x59: {  	s6 =	sadd.s32 s9, s14  }
0x5a: {  	[tilespmem:s20], [sflag:$0x1] =	stream.linear.gather [hbm4b:s6+s3], $0x50, $0x38;
	[tilespmem:$0x1D980] =	vst v63  }
0x5b: {  	s10 =	sadd.s32 $0xFFFFFFB0, s8  }
0x5c: {  	[tilespmem:s22], [sflag:$0x4] =	stream.indirect.gather [hbm4b:s4+s21], $0x80, s10, s21, $0xb8;
	[tilespmem:$0x1D980] =	vst v63  }
0x5d: {  	_ = 	snop  }
0x5e: {  	[spmem:s1] =	stream.indirect.scatter.add.f32 [tilespmem:s24], [sflag:$0x8], $0x80, s23, s21, $0xb8;
	[tilespmem:$0x1D980] =	vst v63  }
0x5f: {  	_ =	swait.ge [sflag:s28], $0x2800  }
0x60: {  	[sflag:s28] =	ssyncset.done $0x0  }
0x61: {  	[sflag:s28] =	ssyncadd.s32 $0xFFFFD800  }
0x62: {  	_ =	swait.ge [sflag:s31], $0x50  }
0x63: {  	[sflag:s31] =	ssyncset.done $0x0  }
0x64: {  	[sflag:s31] =	ssyncadd.s32 $0xFFFFFFB0  }
0x65: {  	_ =	swait.ge [sflag:s0], $0x2800  }
0x66: {  	[sflag:s0] =	ssyncset.done $0x0  }
0x67: {  	s11 =	sadd.s32 s9, s13;
	[sflag:s0] =	ssyncadd.s32 $0xFFFFD800  }
0x68: {  	[tilespmem:s23], [sflag:$0x2] =	stream.linear.gather [hbm4b:s11+s3], $0x50, $0x38;
	[tilespmem:$0x1D980] =	vst v63  }
0x69: {  	_ = 	snop  }
0x6a: {  	[tilespmem:s24], [sflag:$0x5] =	stream.indirect.gather [hbm4b:s4+s21], $0x80, s8, s21, $0xb8;
	[tilespmem:$0x1D980] =	vst v63  }
.Ltmp3:
0x6b: {  	_ = 	snop;
	(pc) =	sbr.rel .LBB2_2-.Ltmp3, $4  }
0x6c: {  	[spmem:s1] =	stream.indirect.scatter.add.f32 [tilespmem:s5], [sflag:$0x7], $0x80, s2, s21, $0xb8;
	[tilespmem:$0x1D980] =	vst v63  }
0x6d: {  	_ =	swait.ge [sflag:s19], $0x2800  }
0x6e: {  	[sflag:s19] =	ssyncset.done $0x0  }
0x6f: {  	s9 =	sadd.s32 $0x1E, s9;
	s8 =	sadd.s32 $0xF0, s8;
	[sflag:s19] =	ssyncadd.s32 $0xFFFFD800  }
.LBB2_5:
0x70: {  	_ =	sfence.sel $0x180000  }
0x71: {  	[bflag:$0x0] =	sbarrier.arrive $0xFFFF  }
0x72: {  	_ =	strace $0x9000004A  }
0x73: {  	s0 =	stileid.u32;
	[bflag:$0x2] =	sbarrier.arrive $0xFFFF  }
0x74: {  	p0 =	sne.s32 s0, $0x0;
	s0 =	rddreg [dreg:$0x3]  }
0x75: {  	s0 =	sadd.s32 @!p0 $0x100000, s0  }
0x76: {  	[sflag:s0] =	ssyncadd.tile.s32 @!p0 $0x1;
	_ =	shalt  }
.Lfunc_end2:
_tile_overlayer_lowered:
.L_overlay_start_2:
0x77: {  	(tag) =	ssettag $0x2  }
0x78: {  	s0 =	rddreg [dreg:$0x0];
	s2 =	stileid.u32  }
0x79: {  	s1 =	rddreg [dreg:$0x1];
	p0 =	sne.s32 s2, $0x0  }
0x7a: {  	s3 =	rddreg [dreg:$0x2];
	[bflag:$0x3] =	sbarrier.arrive $0xFFFF;
	s2 =	simm.s32 @!p0 $0x1C07  }
0x7b: {  	[timem:s3], [sflag:s2] =	dma.local @!p0 [hbm:s0], s1  }
0x7c: {  	s0 =	simm.s32 @!p0 $0x7  }
0x7d: {  	_ =	swait.ge @!p0 [sflag:s0], s1  }
0x7e: {  	s1 =	ssub.s32 @!p0 $0x0, s1;
	[sflag:s0] =	ssyncset.done @!p0 $0x0  }
0x7f: {  	[sflag:s0] =	ssyncadd.s32 @!p0 s1  }
0x80: {  	[bflag:$0x3] =	sbarrier.arrive $0xFFFF  }
0x81: {  	_ =	shalt  }

</sc_bundles>
